<compile_context>
chip_gen: v7x
topology: tpu7x:2x2x1
jax: 0.10.2.dev20260603
libtpu: 0.0.44.dev20260713+nightly
codegen_flags: <defaults>
</compile_context>

<pallas_src>
import functools

import jax
import jax.numpy as jnp
from jax import lax
from jax.experimental import pallas as pl
from jax.experimental.pallas import tpu as pltpu
from jax.experimental.pallas import tpu_sc as plsc

_N = 10000
_E = 320000
_G = 64
_F = 32
_FD = 8

_NC = 2
_NS = 16
_NW = _NC * _NS
_EW = _E // _NW
_CH = 80
_NCHUNK = _EW // _CH
_RPT = 632
_K = 5
_SUP = _NCHUNK // _K

_R = 1000
_GRID = _N // _R


@functools.cache
def _sc_kernels():
    mesh = plsc.VectorSubcoreMesh(
        core_axis_name="c", subcore_axis_name="s", num_cores=_NC, num_subcores=_NS
    )

    @functools.partial(
        pl.kernel,
        out_type=jax.ShapeDtypeStruct((_NC, _N, _FD), jnp.float32),
        mesh=mesh,
        scratch_types=[
            pltpu.VMEM((_CH,), jnp.int32),
            pltpu.VMEM((_CH, _FD), jnp.float32),
            pltpu.VMEM_SHARED((_N, _FD), jnp.float32),
        ],
    )
    def sc_degree(dst_hbm, zeros_hbm, out_hbm, didx, ones_v, acc):
        c = lax.axis_index("c")
        s = lax.axis_index("s")
        wid = s * _NC + c

        def ones_body(i, carry):
            ones_v[pl.ds(i * 2, 2), :] = jnp.ones((16,), jnp.float32).reshape(2, 8)
            return carry

        lax.fori_loop(0, _CH // 2, ones_body, 0)

        r0 = pl.multiple_of(jnp.minimum(s * _RPT, _N - _RPT), 8)
        pltpu.sync_copy(zeros_hbm.at[pl.ds(r0, _RPT)], acc.at[pl.ds(r0, _RPT)])
        plsc.subcore_barrier()

        def body(j, carry):
            base = pl.multiple_of(wid * _EW + j * _CH, _CH)
            pltpu.sync_copy(dst_hbm.at[pl.ds(base, _CH)], didx)
            pltpu.sync_copy(ones_v, acc.at[didx], add=True)
            return carry

        lax.fori_loop(0, _NCHUNK, body, 0)

        plsc.subcore_barrier()
        pltpu.sync_copy(acc.at[pl.ds(r0, _RPT)], out_hbm.at[c, pl.ds(r0, _RPT)])

    @functools.partial(
        pl.kernel,
        out_type=jax.ShapeDtypeStruct((_NC, _N, _F), jnp.float32),
        mesh=mesh,
        scratch_types=[
            pltpu.VMEM((_CH,), jnp.int32),
            pltpu.VMEM((_CH,), jnp.int32),
            pltpu.VMEM((_CH, _F), jnp.float32),
            pltpu.VMEM_SHARED((_N, _F), jnp.float32),
            pltpu.VMEM_SHARED((_N, _F), jnp.float32),
            pltpu.SemaphoreType.DMA,
        ],
    )
    def sc_scatter(y_hbm, src_hbm, dst_hbm, zeros_hbm, out_hbm, sidx, didx, rows,
                   acc, y_sh, sem):
        c = lax.axis_index("c")
        s = lax.axis_index("s")
        wid = s * _NC + c

        r0 = pl.multiple_of(jnp.minimum(s * _RPT, _N - _RPT), 8)
        pltpu.sync_copy(zeros_hbm.at[pl.ds(r0, _RPT)], acc.at[pl.ds(r0, _RPT)])
        pltpu.sync_copy(y_hbm.at[pl.ds(r0, _RPT)], y_sh.at[pl.ds(r0, _RPT)])
        plsc.subcore_barrier()

        def body(j, carry):
            base = pl.multiple_of(wid * _EW + j * _CH, _CH)
            pltpu.sync_copy(src_hbm.at[pl.ds(base, _CH)], sidx)
            pltpu.sync_copy(dst_hbm.at[pl.ds(base, _CH)], didx)
            pltpu.async_copy(y_sh.at[sidx], rows, sem).wait()
            pltpu.sync_copy(rows, acc.at[didx], add=True)
            return carry

        lax.fori_loop(0, _NCHUNK, body, 0)

        plsc.subcore_barrier()
        pltpu.sync_copy(acc.at[pl.ds(r0, _RPT)], out_hbm.at[c, pl.ds(r0, _RPT)])

    return sc_degree, sc_scatter


def _dinv(hist_blk):
    deg = hist_blk[0, :, 0:1] + hist_blk[1, :, 0:1] + 1.0
    return lax.rsqrt(deg)


def _mm_body(x_ref, w_ref, hist_ref, y_ref):
    xw = jnp.dot(x_ref[...], w_ref[...], preferred_element_type=jnp.float32)
    y_ref[...] = xw * _dinv(hist_ref[...])


def _tc_scale_matmul(x, w1, hist):
    return pl.pallas_call(
        _mm_body,
        grid=(_GRID,),
        in_specs=[
            pl.BlockSpec((_R, 128), lambda i: (i, 0)),
            pl.BlockSpec((128, _F), lambda i: (0, 0)),
            pl.BlockSpec((_NC, _R, _FD), lambda i: (0, i, 0)),
        ],
        out_specs=pl.BlockSpec((_R, _F), lambda i: (i, 0)),
        out_shape=jax.ShapeDtypeStruct((_N, _F), jnp.float32),
    )(x, w1, hist)


def _combine_body(s_ref, y_ref, hist_ref, b_ref, out_ref):
    dinv = _dinv(hist_ref[...])
    h = dinv * (s_ref[0] + s_ref[1] + y_ref[...]) + b_ref[...]
    out_ref[...] = h * dinv


def _tc_combine_rescale(s, y, hist, b):
    return pl.pallas_call(
        _combine_body,
        grid=(_GRID,),
        in_specs=[
            pl.BlockSpec((_NC, _R, _F), lambda i: (0, i, 0)),
            pl.BlockSpec((_R, _F), lambda i: (i, 0)),
            pl.BlockSpec((_NC, _R, _FD), lambda i: (0, i, 0)),
            pl.BlockSpec((1, _F), lambda i: (0, 0)),
        ],
        out_specs=pl.BlockSpec((_R, _F), lambda i: (i, 0)),
        out_shape=jax.ShapeDtypeStruct((_N, _F), jnp.float32),
    )(s, y, hist, b)


def _head_body(
    s_ref, y_ref, hist_ref, batch_ref, w2_ref, b2_ref, fw1_ref, fb1_ref,
    gamma_ref, beta_ref, fw2_ref, fb2_ref, out_ref, gsum_ref
):
    i = pl.program_id(0)

    @pl.when(i == 0)
    def _():
        gsum_ref[...] = jnp.zeros_like(gsum_ref)

    dinv = _dinv(hist_ref[...])
    q = dinv * (s_ref[0] + s_ref[1] + y_ref[...])
    b = batch_ref[0, 0, :]
    mask = (b[None, :] == lax.broadcasted_iota(jnp.int32, (_G, _R), 0))
    mask = mask.astype(jnp.float32)
    qa = jnp.concatenate([q, jnp.ones((_R, 8), jnp.float32)], axis=1)
    gsum_ref[...] += jnp.dot(mask, qa, preferred_element_type=jnp.float32)

    @pl.when(i == pl.num_programs(0) - 1)
    def _():
        gs = gsum_ref[...]
        cnt = gs[:, _F:_F + 1]
        gp = gs[:, :_F] / jnp.maximum(cnt, 1.0)
        g = jnp.dot(gp, w2_ref[...], preferred_element_type=jnp.float32)
        g = g + b2_ref[...]
        g = jnp.where(cnt > 0.0, g, 0.0)
        z = jnp.dot(g, fw1_ref[...], preferred_element_type=jnp.float32)
        z = jnp.maximum(z + fb1_ref[...], 0.0)
        mean = jnp.mean(z, axis=0)
        var = jnp.mean((z - mean) ** 2, axis=0)
        z = gamma_ref[...] * (z - mean) * lax.rsqrt(var + 1e-5) + beta_ref[...]
        z = jnp.dot(z, fw2_ref[...], preferred_element_type=jnp.float32)
        out_ref[...] = jnp.maximum(z + fb2_ref[...], 0.0)


def _tc_pool_head(s, y, hist, batch3, w2, b2, fw1, fb1, gamma, beta, fw2, fb2):
    def full(shape):
        return pl.BlockSpec(shape, lambda i: tuple(0 for _ in shape))

    return pl.pallas_call(
        _head_body,
        grid=(_GRID,),
        in_specs=[
            pl.BlockSpec((_NC, _R, _F), lambda i: (0, i, 0)),
            pl.BlockSpec((_R, _F), lambda i: (i, 0)),
            pl.BlockSpec((_NC, _R, _FD), lambda i: (0, i, 0)),
            pl.BlockSpec((1, 1, _R), lambda i: (i, 0, 0)),
            full((_F, 64)),
            full((1, 64)),
            full((64, _F)),
            full((1, _F)),
            full((1, _F)),
            full((1, _F)),
            full((_F, 10)),
            full((1, 10)),
        ],
        out_specs=pl.BlockSpec((_G, 10), lambda i: (0, 0)),
        out_shape=jax.ShapeDtypeStruct((_G, 10), jnp.float32),
        scratch_shapes=[pltpu.VMEM((_G, _F + 8), jnp.float32)],
    )(s, y, hist, batch3, w2, b2, fw1, fb1, gamma, beta, fw2, fb2)


def kernel(x, edge_index, batch, W1, b1, W2, b2, fW1, fb1, gamma, beta, fW2, fb2):
    zeros = jnp.zeros((_N, _F), jnp.float32)
    zeros8 = jnp.zeros((_N, _FD), jnp.float32)
    batch3 = batch.reshape(_GRID, 1, _R)

    src = edge_index[0]
    dst = edge_index[1]
    sc_degree, sc_scatter = _sc_kernels()
    hist = sc_degree(dst, zeros8)
    y1 = _tc_scale_matmul(x, W1, hist)
    s1 = sc_scatter(y1, src, dst, zeros)
    y2 = _tc_combine_rescale(s1, y1, hist, b1.reshape(1, _F))
    s2 = sc_scatter(y2, src, dst, zeros)
    return _tc_pool_head(
        s2, y2, hist, batch3,
        W2, b2.reshape(1, 64), fW1, fb1.reshape(1, _F),
        gamma.reshape(1, _F), beta.reshape(1, _F), fW2, fb2.reshape(1, 10),
    )

# --- scband reference (transcript-rebuilt; emitter-appended) ---
"""Pipeline reference for scband-gcn2-32658931319625 (READ-ONLY COPY).

The authoritative reference and input builder live on the scoring server;
editing this copy changes nothing except your own understanding.
"""

import jax, jax.numpy as jnp
import numpy as np

N = 10000
E = 320000
NUM_GRAPHS = 64
FEA = 128
CLA = 10

def setup_inputs(seed: int = 0):
    key = jax.random.key(seed)
    ks = jax.random.split(key, 8)
    x = jax.random.normal(ks[0], (N, FEA), dtype=jnp.float32)
    edge_index = jax.random.randint(ks[1], (2, E), 0, N, dtype=jnp.int32)
    batch = jnp.sort(jax.random.randint(ks[2], (N,), 0, NUM_GRAPHS, dtype=jnp.int32))
    W1 = jax.random.normal(ks[3], (FEA, 32), dtype=jnp.float32) * (1.0 / np.sqrt(FEA))
    b1 = jnp.zeros((32,), dtype=jnp.float32)
    W2 = jax.random.normal(ks[4], (32, 64), dtype=jnp.float32) * (1.0 / np.sqrt(32))
    b2 = jnp.zeros((64,), dtype=jnp.float32)
    fW1 = jax.random.normal(ks[5], (64, 32), dtype=jnp.float32) * (1.0 / np.sqrt(64))
    fb1 = jnp.zeros((32,), dtype=jnp.float32)
    gamma = jnp.ones((32,), dtype=jnp.float32)
    beta = jnp.zeros((32,), dtype=jnp.float32)
    fW2 = jax.random.normal(ks[6], (32, CLA), dtype=jnp.float32) * (1.0 / np.sqrt(32))
    fb2 = jnp.zeros((CLA,), dtype=jnp.float32)
    return {"x": x, "edge_index": edge_index, "batch": batch, "W1": W1, "b1": b1, "W2": W2, "b2": b2, "fW1": fW1, "fb1": fb1, "gamma": gamma, "beta": beta, "fW2": fW2, "fb2": fb2}

def _gcn_conv(x, edge_index, W, b):
    xw = x @ W
    src = edge_index[0]
    dst = edge_index[1]
    loop = jnp.arange(N, dtype=src.dtype)
    src = jnp.concatenate([src, loop])
    dst = jnp.concatenate([dst, loop])
    ones = jnp.ones(src.shape[0], dtype=xw.dtype)
    deg = jax.ops.segment_sum(ones, dst, num_segments=N)
    dinv = jnp.where(deg > 0, jax.lax.rsqrt(jnp.maximum(deg, 1e-12)), 0.0)
    norm = dinv[src] * dinv[dst]
    msg = xw[src] * norm[:, None]
    out = jax.ops.segment_sum(msg, dst, num_segments=N)
    return out + b

def _batchnorm(h, gamma, beta):
    mean = jnp.mean(h, axis=0)
    var = jnp.var(h, axis=0)
    return gamma * (h - mean) * jax.lax.rsqrt(var + 1e-5) + beta

def reference(x, edge_index, batch, W1, b1, W2, b2, fW1, fb1, gamma, beta, fW2, fb2):
    h = _gcn_conv(x, edge_index, W1, b1)
    h = _gcn_conv(h, edge_index, W2, b2)
    s = jax.ops.segment_sum(h, batch, num_segments=NUM_GRAPHS)
    cnt = jax.ops.segment_sum(jnp.ones((h.shape[0],), h.dtype), batch, num_segments=NUM_GRAPHS)
    g = s / jnp.maximum(cnt, 1.0)[:, None]
    z = g @ fW1 + fb1
    z = jax.nn.relu(z)
    z = _batchnorm(z, gamma, beta)
    z = z @ fW2 + fb2
    return jax.nn.relu(z)

if __name__ == "__main__":
    import jax
    _d = setup_inputs()
    print(jax.jit(kernel)(*tuple(_d.values())))

</pallas_src>

<mosaic_0001>
#map = affine_map<(d0, d1) -> (0)>
#map1 = affine_map<(d0, d1) -> (0, 0)>
#map2 = affine_map<(d0, d1) -> (0, 0, 0)>
module attributes {stable_mosaic.version = 14 : i64} {
  func.func @sc_degree(%arg0: i32, %arg1: i32, %arg2: memref<320000xi32, #tpu.memory_space<hbm>>, %arg3: memref<10000x8xf32, #tpu.memory_space<hbm>>, %arg4: memref<2x10000x8xf32, #tpu.memory_space<hbm>>, %arg5: memref<80xi32, #tpu.memory_space<vmem>>, %arg6: memref<80x8xf32, #tpu.memory_space<vmem>>, %arg7: memref<10000x8xf32, #tpu.memory_space<vmem_shared>>) attributes {dimension_semantics = [#tpu.dimension_semantics<core_parallel>, #tpu.dimension_semantics<subcore_parallel>], iteration_bounds = array<i64: 2, 16>, scalar_prefetch = 0 : i64, scratch_operands = 3 : i64, tpu.core_type = #tpu.core_type<sc_vector_subcore>, window_params = [{transform_indices = #map}, {transform_indices = #map1}, {transform_indices = #map2}]} {
    %mul3A = arith.constant 2 : i32
    %mul3A_0 = arith.muli %arg1, %mul3A : i32
    %add3A = arith.addi %mul3A_0, %arg0 : i32
    %scan3A = arith.constant 0 : i32
    %scan3A_1 = arith.constant 0 : i32
    %scan3A_2 = arith.constant 40 : i32
    %scan3A_3 = arith.addi %scan3A_1, %scan3A_2 : i32
    %scan3A_4 = arith.constant 1 : i32
    scf.for %scan3A_16 = %scan3A_1 to %scan3A_3 step %scan3A_4  : i32 {
      %broadcast_in_dim3A = arith.constant 1.000000e+00 : f32
      %broadcast_in_dim3A_17 = vector.broadcast %broadcast_in_dim3A : f32 to vector<16xf32>
      %reshape3A = vector.shape_cast %broadcast_in_dim3A_17 : vector<16xf32> to vector<2x8xf32>
      %mul3A_18 = arith.constant 2 : i32
      %mul3A_19 = arith.muli %scan3A_16, %mul3A_18 : i32
      %swap3A = arith.index_cast %mul3A_19 : i32 to index
      %swap3A_20 = arith.constant 0 : index
      %swap3A_21 = tpu.vector_load %arg6[%swap3A, %swap3A_20] {strides = array<i32>} : memref<80x8xf32, #tpu.memory_space<vmem>>, vector<2x8xf32>,
      %swap3A_22 = vector.shape_cast %swap3A_21 : vector<2x8xf32> to vector<2x8xf32>
      %swap3A_23 = vector.shape_cast %reshape3A : vector<2x8xf32> to vector<2x8xf32>
      tpu.vector_store %arg6[%swap3A, %swap3A_20], %swap3A_23 {strides = array<i32>} : memref<80x8xf32, #tpu.memory_space<vmem>>, vector<2x8xf32>,
    }
    %scan3A_5 = arith.constant 40 : i32
    %mul3A_6 = arith.constant 632 : i32
    %mul3A_7 = arith.muli %arg1, %mul3A_6 : i32
    %min3A = arith.constant 9368 : i32
    %min3A_8 = arith.minsi %mul3A_7, %min3A : i32
    %multiple_of3A = tpu.assume_multiple %min3A_8, 8 : i32
    "tpu.region"() ({
      %run_scoped3A = tpu.sem_alloc : memref<!tpu.dma_semaphore, #tpu.memory_space<semaphore_mem>>
      %dma_start3A = arith.constant 0 : i32
      %dma_start3A_16 = tpu.memref_slice %arg7[%multiple_of3A, %dma_start3A] : memref<10000x8xf32, #tpu.memory_space<vmem_shared>> -> memref<632x8xf32, #tpu.memory_space<vmem_shared>>
      %dma_start3A_17 = arith.constant 0 : i32
      %dma_start3A_18 = tpu.memref_slice %arg3[%multiple_of3A, %dma_start3A_17] : memref<10000x8xf32, #tpu.memory_space<hbm>> -> memref<632x8xf32, #tpu.memory_space<hbm>>
      tpu.enqueue_dma source(%dma_start3A_18 : memref<632x8xf32, #tpu.memory_space<hbm>>) target(%dma_start3A_16 : memref<632x8xf32, #tpu.memory_space<vmem_shared>>) target_semaphore(%run_scoped3A : memref<!tpu.dma_semaphore, #tpu.memory_space<semaphore_mem>>)
      %dma_wait3A = arith.constant 0 : i32
      %dma_wait3A_19 = tpu.memref_slice %arg7[%multiple_of3A, %dma_wait3A] : memref<10000x8xf32, #tpu.memory_space<vmem_shared>> -> memref<632x8xf32, #tpu.memory_space<vmem_shared>>
      %dma_wait3A_20 = arith.constant 0 : i32
      %dma_wait3A_21 = tpu.memref_slice %arg3[%multiple_of3A, %dma_wait3A_20] : memref<10000x8xf32, #tpu.memory_space<hbm>> -> memref<632x8xf32, #tpu.memory_space<hbm>>
      tpu.wait_dma2 semaphore(%run_scoped3A : memref<!tpu.dma_semaphore, #tpu.memory_space<semaphore_mem>>) src(%dma_wait3A_21 : memref<632x8xf32, #tpu.memory_space<hbm>>) dst(%dma_wait3A_19 : memref<632x8xf32, #tpu.memory_space<vmem_shared>>)
      tpu.yield
    }) : () -> ()
    %barrier3A = arith.constant 0 : index
    tpu.barrier barrier_id(%barrier3A)
    %scan3A_9 = arith.constant 0 : i32
    %scan3A_10 = arith.constant 0 : i32
    %scan3A_11 = arith.constant 125 : i32
    %scan3A_12 = arith.addi %scan3A_10, %scan3A_11 : i32
    %scan3A_13 = arith.constant 1 : i32
    scf.for %scan3A_16 = %scan3A_10 to %scan3A_12 step %scan3A_13  : i32 {
      %mul3A_17 = arith.constant 10000 : i32
      %mul3A_18 = arith.muli %add3A, %mul3A_17 : i32
      %mul3A_19 = arith.constant 80 : i32
      %mul3A_20 = arith.muli %scan3A_16, %mul3A_19 : i32
      %add3A_21 = arith.addi %mul3A_18, %mul3A_20 : i32
      %multiple_of3A_22 = tpu.assume_multiple %add3A_21, 80 : i32
      "tpu.region"() ({
        %run_scoped3A = tpu.sem_alloc : memref<!tpu.dma_semaphore, #tpu.memory_space<semaphore_mem>>
        %dma_start3A = tpu.memref_slice %arg2[%multiple_of3A_22] : memref<320000xi32, #tpu.memory_space<hbm>> -> memref<80xi32, #tpu.memory_space<hbm>>
        %dma_start3A_23 = tpu.memref_slice %arg2[%multiple_of3A_22] : memref<320000xi32, #tpu.memory_space<hbm>> -> memref<80xi32, #tpu.memory_space<hbm>>
        tpu.enqueue_dma source(%dma_start3A_23 : memref<80xi32, #tpu.memory_space<hbm>>) target(%arg5 : memref<80xi32, #tpu.memory_space<vmem>>) target_semaphore(%run_scoped3A : memref<!tpu.dma_semaphore, #tpu.memory_space<semaphore_mem>>)
        %dma_wait3A = tpu.memref_slice %arg2[%multiple_of3A_22] : memref<320000xi32, #tpu.memory_space<hbm>> -> memref<80xi32, #tpu.memory_space<hbm>>
        %dma_wait3A_24 = tpu.memref_slice %arg2[%multiple_of3A_22] : memref<320000xi32, #tpu.memory_space<hbm>> -> memref<80xi32, #tpu.memory_space<hbm>>
        tpu.wait_dma2 semaphore(%run_scoped3A : memref<!tpu.dma_semaphore, #tpu.memory_space<semaphore_mem>>) src(%dma_wait3A_24 : memref<80xi32, #tpu.memory_space<hbm>>) dst(%arg5 : memref<80xi32, #tpu.memory_space<vmem>>)
        tpu.yield
      }) : () -> ()
      "tpu.region"() ({
        %run_scoped3A = tpu.sem_alloc : memref<!tpu.dma_semaphore, #tpu.memory_space<semaphore_mem>>
        %dma_start3A = arith.constant 0 : i32
        %dma_start3A_23 = arith.constant 0 : i32
        %dma_start3A_24 = tpu.memref_slice %arg7[%dma_start3A, %dma_start3A_23] : memref<10000x8xf32, #tpu.memory_space<vmem_shared>> -> memref<10000x8xf32, #tpu.memory_space<vmem_shared>>
        tpu.enqueue_indirect_dma source(%arg6 : memref<80x8xf32, #tpu.memory_space<vmem>>) target(%dma_start3A_24 : memref<10000x8xf32, #tpu.memory_space<vmem_shared>>) offsets(%arg5 : memref<80xi32, #tpu.memory_space<vmem>>) semaphore(%run_scoped3A : memref<!tpu.dma_semaphore, #tpu.memory_space<semaphore_mem>>) {add = true}
        %dma_wait3A = arith.constant 0 : i32
        %dma_wait3A_25 = arith.constant 0 : i32
        %dma_wait3A_26 = tpu.memref_slice %arg7[%dma_wait3A, %dma_wait3A_25] : memref<10000x8xf32, #tpu.memory_space<vmem_shared>> -> memref<10000x8xf32, #tpu.memory_space<vmem_shared>>
        tpu.wait_indirect_dma semaphore(%run_scoped3A : memref<!tpu.dma_semaphore, #tpu.memory_space<semaphore_mem>>) src(%arg6 : memref<80x8xf32, #tpu.memory_space<vmem>>) dst(%dma_wait3A_26 : memref<10000x8xf32, #tpu.memory_space<vmem_shared>>)
        tpu.yield
      }) : () -> ()
    }
    %scan3A_14 = arith.constant 125 : i32
    %barrier3A_15 = arith.constant 0 : index
    tpu.barrier barrier_id(%barrier3A_15)
    "tpu.region"() ({
      %run_scoped3A = tpu.sem_alloc : memref<!tpu.dma_semaphore, #tpu.memory_space<semaphore_mem>>
      %dma_start3A = arith.constant 0 : i32
      %dma_start3A_16 = tpu.memref_slice %arg4[%arg0, %multiple_of3A, %dma_start3A] : memref<2x10000x8xf32, #tpu.memory_space<hbm>> -> memref<1x632x8xf32, #tpu.memory_space<hbm>>
      %dma_start3A_17 = tpu.memref_squeeze %dma_start3A_16 : memref<1x632x8xf32, #tpu.memory_space<hbm>> -> memref<632x8xf32, #tpu.memory_space<hbm>>
      %dma_start3A_18 = arith.constant 0 : i32
      %dma_start3A_19 = tpu.memref_slice %arg7[%multiple_of3A, %dma_start3A_18] : memref<10000x8xf32, #tpu.memory_space<vmem_shared>> -> memref<632x8xf32, #tpu.memory_space<vmem_shared>>
      tpu.enqueue_dma source(%dma_start3A_19 : memref<632x8xf32, #tpu.memory_space<vmem_shared>>) target(%dma_start3A_17 : memref<632x8xf32, #tpu.memory_space<hbm>>) target_semaphore(%run_scoped3A : memref<!tpu.dma_semaphore, #tpu.memory_space<semaphore_mem>>)
      %dma_wait3A = arith.constant 0 : i32
      %dma_wait3A_20 = tpu.memref_slice %arg4[%arg0, %multiple_of3A, %dma_wait3A] : memref<2x10000x8xf32, #tpu.memory_space<hbm>> -> memref<1x632x8xf32, #tpu.memory_space<hbm>>
      %dma_wait3A_21 = tpu.memref_squeeze %dma_wait3A_20 : memref<1x632x8xf32, #tpu.memory_space<hbm>> -> memref<632x8xf32, #tpu.memory_space<hbm>>
      %dma_wait3A_22 = arith.constant 0 : i32
      %dma_wait3A_23 = tpu.memref_slice %arg7[%multiple_of3A, %dma_wait3A_22] : memref<10000x8xf32, #tpu.memory_space<vmem_shared>> -> memref<632x8xf32, #tpu.memory_space<vmem_shared>>
      tpu.wait_dma2 semaphore(%run_scoped3A : memref<!tpu.dma_semaphore, #tpu.memory_space<semaphore_mem>>) src(%dma_wait3A_23 : memref<632x8xf32, #tpu.memory_space<vmem_shared>>) dst(%dma_wait3A_21 : memref<632x8xf32, #tpu.memory_space<hbm>>)
      tpu.yield
    }) : () -> ()
    return
  }
}

#map = affine_map<(d0, d1) -> (0, 0)>
#map1 = affine_map<(d0, d1) -> (0)>
#map2 = affine_map<(d0, d1) -> (0, 0, 0)>
module attributes {stable_mosaic.version = 14 : i64} {
  func.func @sc_scatter(%arg0: i32, %arg1: i32, %arg2: memref<10000x32xf32, #tpu.memory_space<hbm>>, %arg3: memref<320000xi32, #tpu.memory_space<hbm>>, %arg4: memref<320000xi32, #tpu.memory_space<hbm>>, %arg5: memref<10000x32xf32, #tpu.memory_space<hbm>>, %arg6: memref<2x10000x32xf32, #tpu.memory_space<hbm>>, %arg7: memref<80xi32, #tpu.memory_space<vmem>>, %arg8: memref<80xi32, #tpu.memory_space<vmem>>, %arg9: memref<80x32xf32, #tpu.memory_space<vmem>>, %arg10: memref<10000x32xf32, #tpu.memory_space<vmem_shared>>, %arg11: memref<10000x32xf32, #tpu.memory_space<vmem_shared>>, %arg12: memref<!tpu.dma_semaphore, #tpu.memory_space<semaphore_mem>>) attributes {dimension_semantics = [#tpu.dimension_semantics<core_parallel>, #tpu.dimension_semantics<subcore_parallel>], iteration_bounds = array<i64: 2, 16>, scalar_prefetch = 0 : i64, scratch_operands = 6 : i64, tpu.core_type = #tpu.core_type<sc_vector_subcore>, window_params = [{transform_indices = #map}, {transform_indices = #map1}, {transform_indices = #map1}, {transform_indices = #map}, {transform_indices = #map2}]} {
    %mul3A = arith.constant 2 : i32
    %mul3A_0 = arith.muli %arg1, %mul3A : i32
    %add3A = arith.addi %mul3A_0, %arg0 : i32
    %mul3A_1 = arith.constant 632 : i32
    %mul3A_2 = arith.muli %arg1, %mul3A_1 : i32
    %min3A = arith.constant 9368 : i32
    %min3A_3 = arith.minsi %mul3A_2, %min3A : i32
    %multiple_of3A = tpu.assume_multiple %min3A_3, 8 : i32
    "tpu.region"() ({
      %run_scoped3A = tpu.sem_alloc : memref<!tpu.dma_semaphore, #tpu.memory_space<semaphore_mem>>
      %dma_start3A = arith.constant 0 : i32
      %dma_start3A_10 = tpu.memref_slice %arg10[%multiple_of3A, %dma_start3A] : memref<10000x32xf32, #tpu.memory_space<vmem_shared>> -> memref<632x32xf32, #tpu.memory_space<vmem_shared>>
      %dma_start3A_11 = arith.constant 0 : i32
      %dma_start3A_12 = tpu.memref_slice %arg5[%multiple_of3A, %dma_start3A_11] : memref<10000x32xf32, #tpu.memory_space<hbm>> -> memref<632x32xf32, #tpu.memory_space<hbm>>
      tpu.enqueue_dma source(%dma_start3A_12 : memref<632x32xf32, #tpu.memory_space<hbm>>) target(%dma_start3A_10 : memref<632x32xf32, #tpu.memory_space<vmem_shared>>) target_semaphore(%run_scoped3A : memref<!tpu.dma_semaphore, #tpu.memory_space<semaphore_mem>>)
      %dma_wait3A = arith.constant 0 : i32
      %dma_wait3A_13 = tpu.memref_slice %arg10[%multiple_of3A, %dma_wait3A] : memref<10000x32xf32, #tpu.memory_space<vmem_shared>> -> memref<632x32xf32, #tpu.memory_space<vmem_shared>>
      %dma_wait3A_14 = arith.constant 0 : i32
      %dma_wait3A_15 = tpu.memref_slice %arg5[%multiple_of3A, %dma_wait3A_14] : memref<10000x32xf32, #tpu.memory_space<hbm>> -> memref<632x32xf32, #tpu.memory_space<hbm>>
      tpu.wait_dma2 semaphore(%run_scoped3A : memref<!tpu.dma_semaphore, #tpu.memory_space<semaphore_mem>>) src(%dma_wait3A_15 : memref<632x32xf32, #tpu.memory_space<hbm>>) dst(%dma_wait3A_13 : memref<632x32xf32, #tpu.memory_space<vmem_shared>>)
      tpu.yield
    }) : () -> ()
    "tpu.region"() ({
      %run_scoped3A = tpu.sem_alloc : memref<!tpu.dma_semaphore, #tpu.memory_space<semaphore_mem>>
      %dma_start3A = arith.constant 0 : i32
      %dma_start3A_10 = tpu.memref_slice %arg11[%multiple_of3A, %dma_start3A] : memref<10000x32xf32, #tpu.memory_space<vmem_shared>> -> memref<632x32xf32, #tpu.memory_space<vmem_shared>>
      %dma_start3A_11 = arith.constant 0 : i32
      %dma_start3A_12 = tpu.memref_slice %arg2[%multiple_of3A, %dma_start3A_11] : memref<10000x32xf32, #tpu.memory_space<hbm>> -> memref<632x32xf32, #tpu.memory_space<hbm>>
      tpu.enqueue_dma source(%dma_start3A_12 : memref<632x32xf32, #tpu.memory_space<hbm>>) target(%dma_start3A_10 : memref<632x32xf32, #tpu.memory_space<vmem_shared>>) target_semaphore(%run_scoped3A : memref<!tpu.dma_semaphore, #tpu.memory_space<semaphore_mem>>)
      %dma_wait3A = arith.constant 0 : i32
      %dma_wait3A_13 = tpu.memref_slice %arg11[%multiple_of3A, %dma_wait3A] : memref<10000x32xf32, #tpu.memory_space<vmem_shared>> -> memref<632x32xf32, #tpu.memory_space<vmem_shared>>
      %dma_wait3A_14 = arith.constant 0 : i32
      %dma_wait3A_15 = tpu.memref_slice %arg2[%multiple_of3A, %dma_wait3A_14] : memref<10000x32xf32, #tpu.memory_space<hbm>> -> memref<632x32xf32, #tpu.memory_space<hbm>>
      tpu.wait_dma2 semaphore(%run_scoped3A : memref<!tpu.dma_semaphore, #tpu.memory_space<semaphore_mem>>) src(%dma_wait3A_15 : memref<632x32xf32, #tpu.memory_space<hbm>>) dst(%dma_wait3A_13 : memref<632x32xf32, #tpu.memory_space<vmem_shared>>)
      tpu.yield
    }) : () -> ()
    %barrier3A = arith.constant 0 : index
    tpu.barrier barrier_id(%barrier3A)
    %scan3A = arith.constant 0 : i32
    %scan3A_4 = arith.constant 0 : i32
    %scan3A_5 = arith.constant 125 : i32
    %scan3A_6 = arith.addi %scan3A_4, %scan3A_5 : i32
    %scan3A_7 = arith.constant 1 : i32
    scf.for %scan3A_10 = %scan3A_4 to %scan3A_6 step %scan3A_7  : i32 {
      %mul3A_11 = arith.constant 10000 : i32
      %mul3A_12 = arith.muli %add3A, %mul3A_11 : i32
      %mul3A_13 = arith.constant 80 : i32
      %mul3A_14 = arith.muli %scan3A_10, %mul3A_13 : i32
      %add3A_15 = arith.addi %mul3A_12, %mul3A_14 : i32
      %multiple_of3A_16 = tpu.assume_multiple %add3A_15, 80 : i32
      "tpu.region"() ({
        %run_scoped3A = tpu.sem_alloc : memref<!tpu.dma_semaphore, #tpu.memory_space<semaphore_mem>>
        %dma_start3A_21 = tpu.memref_slice %arg3[%multiple_of3A_16] : memref<320000xi32, #tpu.memory_space<hbm>> -> memref<80xi32, #tpu.memory_space<hbm>>
        %dma_start3A_22 = tpu.memref_slice %arg3[%multiple_of3A_16] : memref<320000xi32, #tpu.memory_space<hbm>> -> memref<80xi32, #tpu.memory_space<hbm>>
        tpu.enqueue_dma source(%dma_start3A_22 : memref<80xi32, #tpu.memory_space<hbm>>) target(%arg7 : memref<80xi32, #tpu.memory_space<vmem>>) target_semaphore(%run_scoped3A : memref<!tpu.dma_semaphore, #tpu.memory_space<semaphore_mem>>)
        %dma_wait3A_23 = tpu.memref_slice %arg3[%multiple_of3A_16] : memref<320000xi32, #tpu.memory_space<hbm>> -> memref<80xi32, #tpu.memory_space<hbm>>
        %dma_wait3A_24 = tpu.memref_slice %arg3[%multiple_of3A_16] : memref<320000xi32, #tpu.memory_space<hbm>> -> memref<80xi32, #tpu.memory_space<hbm>>
        tpu.wait_dma2 semaphore(%run_scoped3A : memref<!tpu.dma_semaphore, #tpu.memory_space<semaphore_mem>>) src(%dma_wait3A_24 : memref<80xi32, #tpu.memory_space<hbm>>) dst(%arg7 : memref<80xi32, #tpu.memory_space<vmem>>)
        tpu.yield
      }) : () -> ()
      "tpu.region"() ({
        %run_scoped3A = tpu.sem_alloc : memref<!tpu.dma_semaphore, #tpu.memory_space<semaphore_mem>>
        %dma_start3A_21 = tpu.memref_slice %arg4[%multiple_of3A_16] : memref<320000xi32, #tpu.memory_space<hbm>> -> memref<80xi32, #tpu.memory_space<hbm>>
        %dma_start3A_22 = tpu.memref_slice %arg4[%multiple_of3A_16] : memref<320000xi32, #tpu.memory_space<hbm>> -> memref<80xi32, #tpu.memory_space<hbm>>
        tpu.enqueue_dma source(%dma_start3A_22 : memref<80xi32, #tpu.memory_space<hbm>>) target(%arg8 : memref<80xi32, #tpu.memory_space<vmem>>) target_semaphore(%run_scoped3A : memref<!tpu.dma_semaphore, #tpu.memory_space<semaphore_mem>>)
        %dma_wait3A_23 = tpu.memref_slice %arg4[%multiple_of3A_16] : memref<320000xi32, #tpu.memory_space<hbm>> -> memref<80xi32, #tpu.memory_space<hbm>>
        %dma_wait3A_24 = tpu.memref_slice %arg4[%multiple_of3A_16] : memref<320000xi32, #tpu.memory_space<hbm>> -> memref<80xi32, #tpu.memory_space<hbm>>
        tpu.wait_dma2 semaphore(%run_scoped3A : memref<!tpu.dma_semaphore, #tpu.memory_space<semaphore_mem>>) src(%dma_wait3A_24 : memref<80xi32, #tpu.memory_space<hbm>>) dst(%arg8 : memref<80xi32, #tpu.memory_space<vmem>>)
        tpu.yield
      }) : () -> ()
      %dma_start3A = arith.constant 0 : i32
      %dma_start3A_17 = arith.constant 0 : i32
      %dma_start3A_18 = tpu.memref_slice %arg11[%dma_start3A, %dma_start3A_17] : memref<10000x32xf32, #tpu.memory_space<vmem_shared>> -> memref<10000x32xf32, #tpu.memory_space<vmem_shared>>
      tpu.enqueue_indirect_dma source(%dma_start3A_18 : memref<10000x32xf32, #tpu.memory_space<vmem_shared>>) target(%arg9 : memref<80x32xf32, #tpu.memory_space<vmem>>) offsets(%arg7 : memref<80xi32, #tpu.memory_space<vmem>>) semaphore(%arg12 : memref<!tpu.dma_semaphore, #tpu.memory_space<semaphore_mem>>)
      %dma_wait3A = arith.constant 0 : i32
      %dma_wait3A_19 = arith.constant 0 : i32
      %dma_wait3A_20 = tpu.memref_slice %arg11[%dma_wait3A, %dma_wait3A_19] : memref<10000x32xf32, #tpu.memory_space<vmem_shared>> -> memref<10000x32xf32, #tpu.memory_space<vmem_shared>>
      tpu.wait_indirect_dma semaphore(%arg12 : memref<!tpu.dma_semaphore, #tpu.memory_space<semaphore_mem>>) src(%dma_wait3A_20 : memref<10000x32xf32, #tpu.memory_space<vmem_shared>>) dst(%arg9 : memref<80x32xf32, #tpu.memory_space<vmem>>)
      "tpu.region"() ({
        %run_scoped3A = tpu.sem_alloc : memref<!tpu.dma_semaphore, #tpu.memory_space<semaphore_mem>>
        %dma_start3A_21 = arith.constant 0 : i32
        %dma_start3A_22 = arith.constant 0 : i32
        %dma_start3A_23 = tpu.memref_slice %arg10[%dma_start3A_21, %dma_start3A_22] : memref<10000x32xf32, #tpu.memory_space<vmem_shared>> -> memref<10000x32xf32, #tpu.memory_space<vmem_shared>>
        tpu.enqueue_indirect_dma source(%arg9 : memref<80x32xf32, #tpu.memory_space<vmem>>) target(%dma_start3A_23 : memref<10000x32xf32, #tpu.memory_space<vmem_shared>>) offsets(%arg8 : memref<80xi32, #tpu.memory_space<vmem>>) semaphore(%run_scoped3A : memref<!tpu.dma_semaphore, #tpu.memory_space<semaphore_mem>>) {add = true}
        %dma_wait3A_24 = arith.constant 0 : i32
        %dma_wait3A_25 = arith.constant 0 : i32
        %dma_wait3A_26 = tpu.memref_slice %arg10[%dma_wait3A_24, %dma_wait3A_25] : memref<10000x32xf32, #tpu.memory_space<vmem_shared>> -> memref<10000x32xf32, #tpu.memory_space<vmem_shared>>
        tpu.wait_indirect_dma semaphore(%run_scoped3A : memref<!tpu.dma_semaphore, #tpu.memory_space<semaphore_mem>>) src(%arg9 : memref<80x32xf32, #tpu.memory_space<vmem>>) dst(%dma_wait3A_26 : memref<10000x32xf32, #tpu.memory_space<vmem_shared>>)
        tpu.yield
      }) : () -> ()
    }
    %scan3A_8 = arith.constant 125 : i32
    %barrier3A_9 = arith.constant 0 : index
    tpu.barrier barrier_id(%barrier3A_9)
    "tpu.region"() ({
      %run_scoped3A = tpu.sem_alloc : memref<!tpu.dma_semaphore, #tpu.memory_space<semaphore_mem>>
      %dma_start3A = arith.constant 0 : i32
      %dma_start3A_10 = tpu.memref_slice %arg6[%arg0, %multiple_of3A, %dma_start3A] : memref<2x10000x32xf32, #tpu.memory_space<hbm>> -> memref<1x632x32xf32, #tpu.memory_space<hbm>>
      %dma_start3A_11 = tpu.memref_squeeze %dma_start3A_10 : memref<1x632x32xf32, #tpu.memory_space<hbm>> -> memref<632x32xf32, #tpu.memory_space<hbm>>
      %dma_start3A_12 = arith.constant 0 : i32
      %dma_start3A_13 = tpu.memref_slice %arg10[%multiple_of3A, %dma_start3A_12] : memref<10000x32xf32, #tpu.memory_space<vmem_shared>> -> memref<632x32xf32, #tpu.memory_space<vmem_shared>>
      tpu.enqueue_dma source(%dma_start3A_13 : memref<632x32xf32, #tpu.memory_space<vmem_shared>>) target(%dma_start3A_11 : memref<632x32xf32, #tpu.memory_space<hbm>>) target_semaphore(%run_scoped3A : memref<!tpu.dma_semaphore, #tpu.memory_space<semaphore_mem>>)
      %dma_wait3A = arith.constant 0 : i32
      %dma_wait3A_14 = tpu.memref_slice %arg6[%arg0, %multiple_of3A, %dma_wait3A] : memref<2x10000x32xf32, #tpu.memory_space<hbm>> -> memref<1x632x32xf32, #tpu.memory_space<hbm>>
      %dma_wait3A_15 = tpu.memref_squeeze %dma_wait3A_14 : memref<1x632x32xf32, #tpu.memory_space<hbm>> -> memref<632x32xf32, #tpu.memory_space<hbm>>
      %dma_wait3A_16 = arith.constant 0 : i32
      %dma_wait3A_17 = tpu.memref_slice %arg10[%multiple_of3A, %dma_wait3A_16] : memref<10000x32xf32, #tpu.memory_space<vmem_shared>> -> memref<632x32xf32, #tpu.memory_space<vmem_shared>>
      tpu.wait_dma2 semaphore(%run_scoped3A : memref<!tpu.dma_semaphore, #tpu.memory_space<semaphore_mem>>) src(%dma_wait3A_17 : memref<632x32xf32, #tpu.memory_space<vmem_shared>>) dst(%dma_wait3A_15 : memref<632x32xf32, #tpu.memory_space<hbm>>)
      tpu.yield
    }) : () -> ()
    return
  }
}

#map = affine_map<(d0, d1) -> (0, 0)>
#map1 = affine_map<(d0, d1) -> (0)>
#map2 = affine_map<(d0, d1) -> (0, 0, 0)>
module attributes {stable_mosaic.version = 14 : i64} {
  func.func @sc_scatter(%arg0: i32, %arg1: i32, %arg2: memref<10000x32xf32, #tpu.memory_space<hbm>>, %arg3: memref<320000xi32, #tpu.memory_space<hbm>>, %arg4: memref<320000xi32, #tpu.memory_space<hbm>>, %arg5: memref<10000x32xf32, #tpu.memory_space<hbm>>, %arg6: memref<2x10000x32xf32, #tpu.memory_space<hbm>>, %arg7: memref<80xi32, #tpu.memory_space<vmem>>, %arg8: memref<80xi32, #tpu.memory_space<vmem>>, %arg9: memref<80x32xf32, #tpu.memory_space<vmem>>, %arg10: memref<10000x32xf32, #tpu.memory_space<vmem_shared>>, %arg11: memref<10000x32xf32, #tpu.memory_space<vmem_shared>>, %arg12: memref<!tpu.dma_semaphore, #tpu.memory_space<semaphore_mem>>) attributes {dimension_semantics = [#tpu.dimension_semantics<core_parallel>, #tpu.dimension_semantics<subcore_parallel>], iteration_bounds = array<i64: 2, 16>, scalar_prefetch = 0 : i64, scratch_operands = 6 : i64, tpu.core_type = #tpu.core_type<sc_vector_subcore>, window_params = [{transform_indices = #map}, {transform_indices = #map1}, {transform_indices = #map1}, {transform_indices = #map}, {transform_indices = #map2}]} {
    %mul3A = arith.constant 2 : i32
    %mul3A_0 = arith.muli %arg1, %mul3A : i32
    %add3A = arith.addi %mul3A_0, %arg0 : i32
    %mul3A_1 = arith.constant 632 : i32
    %mul3A_2 = arith.muli %arg1, %mul3A_1 : i32
    %min3A = arith.constant 9368 : i32
    %min3A_3 = arith.minsi %mul3A_2, %min3A : i32
    %multiple_of3A = tpu.assume_multiple %min3A_3, 8 : i32
    "tpu.region"() ({
      %run_scoped3A = tpu.sem_alloc : memref<!tpu.dma_semaphore, #tpu.memory_space<semaphore_mem>>
      %dma_start3A = arith.constant 0 : i32
      %dma_start3A_10 = tpu.memref_slice %arg10[%multiple_of3A, %dma_start3A] : memref<10000x32xf32, #tpu.memory_space<vmem_shared>> -> memref<632x32xf32, #tpu.memory_space<vmem_shared>>
      %dma_start3A_11 = arith.constant 0 : i32
      %dma_start3A_12 = tpu.memref_slice %arg5[%multiple_of3A, %dma_start3A_11] : memref<10000x32xf32, #tpu.memory_space<hbm>> -> memref<632x32xf32, #tpu.memory_space<hbm>>
      tpu.enqueue_dma source(%dma_start3A_12 : memref<632x32xf32, #tpu.memory_space<hbm>>) target(%dma_start3A_10 : memref<632x32xf32, #tpu.memory_space<vmem_shared>>) target_semaphore(%run_scoped3A : memref<!tpu.dma_semaphore, #tpu.memory_space<semaphore_mem>>)
      %dma_wait3A = arith.constant 0 : i32
      %dma_wait3A_13 = tpu.memref_slice %arg10[%multiple_of3A, %dma_wait3A] : memref<10000x32xf32, #tpu.memory_space<vmem_shared>> -> memref<632x32xf32, #tpu.memory_space<vmem_shared>>
      %dma_wait3A_14 = arith.constant 0 : i32
      %dma_wait3A_15 = tpu.memref_slice %arg5[%multiple_of3A, %dma_wait3A_14] : memref<10000x32xf32, #tpu.memory_space<hbm>> -> memref<632x32xf32, #tpu.memory_space<hbm>>
      tpu.wait_dma2 semaphore(%run_scoped3A : memref<!tpu.dma_semaphore, #tpu.memory_space<semaphore_mem>>) src(%dma_wait3A_15 : memref<632x32xf32, #tpu.memory_space<hbm>>) dst(%dma_wait3A_13 : memref<632x32xf32, #tpu.memory_space<vmem_shared>>)
      tpu.yield
    }) : () -> ()
    "tpu.region"() ({
      %run_scoped3A = tpu.sem_alloc : memref<!tpu.dma_semaphore, #tpu.memory_space<semaphore_mem>>
      %dma_start3A = arith.constant 0 : i32
      %dma_start3A_10 = tpu.memref_slice %arg11[%multiple_of3A, %dma_start3A] : memref<10000x32xf32, #tpu.memory_space<vmem_shared>> -> memref<632x32xf32, #tpu.memory_space<vmem_shared>>
      %dma_start3A_11 = arith.constant 0 : i32
      %dma_start3A_12 = tpu.memref_slice %arg2[%multiple_of3A, %dma_start3A_11] : memref<10000x32xf32, #tpu.memory_space<hbm>> -> memref<632x32xf32, #tpu.memory_space<hbm>>
      tpu.enqueue_dma source(%dma_start3A_12 : memref<632x32xf32, #tpu.memory_space<hbm>>) target(%dma_start3A_10 : memref<632x32xf32, #tpu.memory_space<vmem_shared>>) target_semaphore(%run_scoped3A : memref<!tpu.dma_semaphore, #tpu.memory_space<semaphore_mem>>)
      %dma_wait3A = arith.constant 0 : i32
      %dma_wait3A_13 = tpu.memref_slice %arg11[%multiple_of3A, %dma_wait3A] : memref<10000x32xf32, #tpu.memory_space<vmem_shared>> -> memref<632x32xf32, #tpu.memory_space<vmem_shared>>
      %dma_wait3A_14 = arith.constant 0 : i32
      %dma_wait3A_15 = tpu.memref_slice %arg2[%multiple_of3A, %dma_wait3A_14] : memref<10000x32xf32, #tpu.memory_space<hbm>> -> memref<632x32xf32, #tpu.memory_space<hbm>>
      tpu.wait_dma2 semaphore(%run_scoped3A : memref<!tpu.dma_semaphore, #tpu.memory_space<semaphore_mem>>) src(%dma_wait3A_15 : memref<632x32xf32, #tpu.memory_space<hbm>>) dst(%dma_wait3A_13 : memref<632x32xf32, #tpu.memory_space<vmem_shared>>)
      tpu.yield
    }) : () -> ()
    %barrier3A = arith.constant 0 : index
    tpu.barrier barrier_id(%barrier3A)
    %scan3A = arith.constant 0 : i32
    %scan3A_4 = arith.constant 0 : i32
    %scan3A_5 = arith.constant 125 : i32
    %scan3A_6 = arith.addi %scan3A_4, %scan3A_5 : i32
    %scan3A_7 = arith.constant 1 : i32
    scf.for %scan3A_10 = %scan3A_4 to %scan3A_6 step %scan3A_7  : i32 {
      %mul3A_11 = arith.constant 10000 : i32
      %mul3A_12 = arith.muli %add3A, %mul3A_11 : i32
      %mul3A_13 = arith.constant 80 : i32
      %mul3A_14 = arith.muli %scan3A_10, %mul3A_13 : i32
      %add3A_15 = arith.addi %mul3A_12, %mul3A_14 : i32
      %multiple_of3A_16 = tpu.assume_multiple %add3A_15, 80 : i32
      "tpu.region"() ({
        %run_scoped3A = tpu.sem_alloc : memref<!tpu.dma_semaphore, #tpu.memory_space<semaphore_mem>>
        %dma_start3A_21 = tpu.memref_slice %arg3[%multiple_of3A_16] : memref<320000xi32, #tpu.memory_space<hbm>> -> memref<80xi32, #tpu.memory_space<hbm>>
        %dma_start3A_22 = tpu.memref_slice %arg3[%multiple_of3A_16] : memref<320000xi32, #tpu.memory_space<hbm>> -> memref<80xi32, #tpu.memory_space<hbm>>
        tpu.enqueue_dma source(%dma_start3A_22 : memref<80xi32, #tpu.memory_space<hbm>>) target(%arg7 : memref<80xi32, #tpu.memory_space<vmem>>) target_semaphore(%run_scoped3A : memref<!tpu.dma_semaphore, #tpu.memory_space<semaphore_mem>>)
        %dma_wait3A_23 = tpu.memref_slice %arg3[%multiple_of3A_16] : memref<320000xi32, #tpu.memory_space<hbm>> -> memref<80xi32, #tpu.memory_space<hbm>>
        %dma_wait3A_24 = tpu.memref_slice %arg3[%multiple_of3A_16] : memref<320000xi32, #tpu.memory_space<hbm>> -> memref<80xi32, #tpu.memory_space<hbm>>
        tpu.wait_dma2 semaphore(%run_scoped3A : memref<!tpu.dma_semaphore, #tpu.memory_space<semaphore_mem>>) src(%dma_wait3A_24 : memref<80xi32, #tpu.memory_space<hbm>>) dst(%arg7 : memref<80xi32, #tpu.memory_space<vmem>>)
        tpu.yield
      }) : () -> ()
      "tpu.region"() ({
        %run_scoped3A = tpu.sem_alloc : memref<!tpu.dma_semaphore, #tpu.memory_space<semaphore_mem>>
        %dma_start3A_21 = tpu.memref_slice %arg4[%multiple_of3A_16] : memref<320000xi32, #tpu.memory_space<hbm>> -> memref<80xi32, #tpu.memory_space<hbm>>
        %dma_start3A_22 = tpu.memref_slice %arg4[%multiple_of3A_16] : memref<320000xi32, #tpu.memory_space<hbm>> -> memref<80xi32, #tpu.memory_space<hbm>>
        tpu.enqueue_dma source(%dma_start3A_22 : memref<80xi32, #tpu.memory_space<hbm>>) target(%arg8 : memref<80xi32, #tpu.memory_space<vmem>>) target_semaphore(%run_scoped3A : memref<!tpu.dma_semaphore, #tpu.memory_space<semaphore_mem>>)
        %dma_wait3A_23 = tpu.memref_slice %arg4[%multiple_of3A_16] : memref<320000xi32, #tpu.memory_space<hbm>> -> memref<80xi32, #tpu.memory_space<hbm>>
        %dma_wait3A_24 = tpu.memref_slice %arg4[%multiple_of3A_16] : memref<320000xi32, #tpu.memory_space<hbm>> -> memref<80xi32, #tpu.memory_space<hbm>>
        tpu.wait_dma2 semaphore(%run_scoped3A : memref<!tpu.dma_semaphore, #tpu.memory_space<semaphore_mem>>) src(%dma_wait3A_24 : memref<80xi32, #tpu.memory_space<hbm>>) dst(%arg8 : memref<80xi32, #tpu.memory_space<vmem>>)
        tpu.yield
      }) : () -> ()
      %dma_start3A = arith.constant 0 : i32
      %dma_start3A_17 = arith.constant 0 : i32
      %dma_start3A_18 = tpu.memref_slice %arg11[%dma_start3A, %dma_start3A_17] : memref<10000x32xf32, #tpu.memory_space<vmem_shared>> -> memref<10000x32xf32, #tpu.memory_space<vmem_shared>>
      tpu.enqueue_indirect_dma source(%dma_start3A_18 : memref<10000x32xf32, #tpu.memory_space<vmem_shared>>) target(%arg9 : memref<80x32xf32, #tpu.memory_space<vmem>>) offsets(%arg7 : memref<80xi32, #tpu.memory_space<vmem>>) semaphore(%arg12 : memref<!tpu.dma_semaphore, #tpu.memory_space<semaphore_mem>>)
      %dma_wait3A = arith.constant 0 : i32
      %dma_wait3A_19 = arith.constant 0 : i32
      %dma_wait3A_20 = tpu.memref_slice %arg11[%dma_wait3A, %dma_wait3A_19] : memref<10000x32xf32, #tpu.memory_space<vmem_shared>> -> memref<10000x32xf32, #tpu.memory_space<vmem_shared>>
      tpu.wait_indirect_dma semaphore(%arg12 : memref<!tpu.dma_semaphore, #tpu.memory_space<semaphore_mem>>) src(%dma_wait3A_20 : memref<10000x32xf32, #tpu.memory_space<vmem_shared>>) dst(%arg9 : memref<80x32xf32, #tpu.memory_space<vmem>>)
      "tpu.region"() ({
        %run_scoped3A = tpu.sem_alloc : memref<!tpu.dma_semaphore, #tpu.memory_space<semaphore_mem>>
        %dma_start3A_21 = arith.constant 0 : i32
        %dma_start3A_22 = arith.constant 0 : i32
        %dma_start3A_23 = tpu.memref_slice %arg10[%dma_start3A_21, %dma_start3A_22] : memref<10000x32xf32, #tpu.memory_space<vmem_shared>> -> memref<10000x32xf32, #tpu.memory_space<vmem_shared>>
        tpu.enqueue_indirect_dma source(%arg9 : memref<80x32xf32, #tpu.memory_space<vmem>>) target(%dma_start3A_23 : memref<10000x32xf32, #tpu.memory_space<vmem_shared>>) offsets(%arg8 : memref<80xi32, #tpu.memory_space<vmem>>) semaphore(%run_scoped3A : memref<!tpu.dma_semaphore, #tpu.memory_space<semaphore_mem>>) {add = true}
        %dma_wait3A_24 = arith.constant 0 : i32
        %dma_wait3A_25 = arith.constant 0 : i32
        %dma_wait3A_26 = tpu.memref_slice %arg10[%dma_wait3A_24, %dma_wait3A_25] : memref<10000x32xf32, #tpu.memory_space<vmem_shared>> -> memref<10000x32xf32, #tpu.memory_space<vmem_shared>>
        tpu.wait_indirect_dma semaphore(%run_scoped3A : memref<!tpu.dma_semaphore, #tpu.memory_space<semaphore_mem>>) src(%arg9 : memref<80x32xf32, #tpu.memory_space<vmem>>) dst(%dma_wait3A_26 : memref<10000x32xf32, #tpu.memory_space<vmem_shared>>)
        tpu.yield
      }) : () -> ()
    }
    %scan3A_8 = arith.constant 125 : i32
    %barrier3A_9 = arith.constant 0 : index
    tpu.barrier barrier_id(%barrier3A_9)
    "tpu.region"() ({
      %run_scoped3A = tpu.sem_alloc : memref<!tpu.dma_semaphore, #tpu.memory_space<semaphore_mem>>
      %dma_start3A = arith.constant 0 : i32
      %dma_start3A_10 = tpu.memref_slice %arg6[%arg0, %multiple_of3A, %dma_start3A] : memref<2x10000x32xf32, #tpu.memory_space<hbm>> -> memref<1x632x32xf32, #tpu.memory_space<hbm>>
      %dma_start3A_11 = tpu.memref_squeeze %dma_start3A_10 : memref<1x632x32xf32, #tpu.memory_space<hbm>> -> memref<632x32xf32, #tpu.memory_space<hbm>>
      %dma_start3A_12 = arith.constant 0 : i32
      %dma_start3A_13 = tpu.memref_slice %arg10[%multiple_of3A, %dma_start3A_12] : memref<10000x32xf32, #tpu.memory_space<vmem_shared>> -> memref<632x32xf32, #tpu.memory_space<vmem_shared>>
      tpu.enqueue_dma source(%dma_start3A_13 : memref<632x32xf32, #tpu.memory_space<vmem_shared>>) target(%dma_start3A_11 : memref<632x32xf32, #tpu.memory_space<hbm>>) target_semaphore(%run_scoped3A : memref<!tpu.dma_semaphore, #tpu.memory_space<semaphore_mem>>)
      %dma_wait3A = arith.constant 0 : i32
      %dma_wait3A_14 = tpu.memref_slice %arg6[%arg0, %multiple_of3A, %dma_wait3A] : memref<2x10000x32xf32, #tpu.memory_space<hbm>> -> memref<1x632x32xf32, #tpu.memory_space<hbm>>
      %dma_wait3A_15 = tpu.memref_squeeze %dma_wait3A_14 : memref<1x632x32xf32, #tpu.memory_space<hbm>> -> memref<632x32xf32, #tpu.memory_space<hbm>>
      %dma_wait3A_16 = arith.constant 0 : i32
      %dma_wait3A_17 = tpu.memref_slice %arg10[%multiple_of3A, %dma_wait3A_16] : memref<10000x32xf32, #tpu.memory_space<vmem_shared>> -> memref<632x32xf32, #tpu.memory_space<vmem_shared>>
      tpu.wait_dma2 semaphore(%run_scoped3A : memref<!tpu.dma_semaphore, #tpu.memory_space<semaphore_mem>>) src(%dma_wait3A_17 : memref<632x32xf32, #tpu.memory_space<vmem_shared>>) dst(%dma_wait3A_15 : memref<632x32xf32, #tpu.memory_space<hbm>>)
      tpu.yield
    }) : () -> ()
    return
  }
}

module attributes {stable_mosaic.version = 14 : i64} {
  func.func @_mm_body(%arg0: i32, %arg1: memref<1000x128xf32, #tpu.memory_space<vmem>>, %arg2: memref<128x32xf32, #tpu.memory_space<vmem>>, %arg3: memref<2x1000x8xf32, #tpu.memory_space<vmem>>, %arg4: memref<1000x32xf32, #tpu.memory_space<vmem>>) attributes {dimension_semantics = [#tpu.dimension_semantics<arbitrary>], iteration_bounds = array<i64: 10>, scalar_prefetch = 0 : i64, scratch_operands = 0 : i64, tpu.core_type = #tpu.core_type<tc>, window_params = [{transform_indices = @transform_0, window_bounds = array<i64: 1000, 128>}, {pipeline_mode = #tpu.pipeline_mode<synchronous>, transform_indices = @transform_1, window_bounds = array<i64: 128, 32>}, {transform_indices = @transform_2, window_bounds = array<i64: 2, 1000, 8>}, {transform_indices = @transform_3, window_bounds = array<i64: 1000, 32>}]} {
    %get3A = arith.constant 0 : index
    %get3A_0 = arith.constant 0 : index
    %get3A_1 = vector.load %arg1[%get3A, %get3A_0] : memref<1000x128xf32, #tpu.memory_space<vmem>>, vector<1000x128xf32>
    %get3A_2 = arith.constant 0 : index
    %get3A_3 = arith.constant 0 : index
    %get3A_4 = vector.load %arg2[%get3A_2, %get3A_3] : memref<128x32xf32, #tpu.memory_space<vmem>>, vector<128x32xf32>
    %dot_general3A = arith.constant dense<0.000000e+00> : vector<1000x32xf32>
    %dot_general3A_5 = tpu.matmul %get3A_1, %get3A_4, %dot_general3A {dimension_numbers = #tpu.dot_dimension_numbers<[1], [0], [0], [1], [0, 0, 1, 1], [], []>, transpose_lhs_hint = false} : vector<1000x128xf32>, vector<128x32xf32>, vector<1000x32xf32> -> vector<1000x32xf32>
    %get3A_6 = arith.constant 0 : index
    %get3A_7 = arith.constant 0 : index
    %get3A_8 = arith.constant 0 : index
    %get3A_9 = vector.load %arg3[%get3A_6, %get3A_7, %get3A_8] : memref<2x1000x8xf32, #tpu.memory_space<vmem>>, vector<2x1000x8xf32>
    %slice3A = vector.extract_strided_slice %get3A_9 {offsets = [0, 0, 0], sizes = [1, 1000, 1], strides = [1, 1, 1]} : vector<2x1000x8xf32> to vector<1x1000x1xf32>
    %squeeze3A = vector.shape_cast %slice3A : vector<1x1000x1xf32> to vector<1000x1xf32>
    %slice3A_10 = vector.extract_strided_slice %get3A_9 {offsets = [1, 0, 0], sizes = [1, 1000, 1], strides = [1, 1, 1]} : vector<2x1000x8xf32> to vector<1x1000x1xf32>
    %squeeze3A_11 = vector.shape_cast %slice3A_10 : vector<1x1000x1xf32> to vector<1000x1xf32>
    %add3A = arith.addf %squeeze3A, %squeeze3A_11 : vector<1000x1xf32>
    %add3A_12 = arith.constant 1.000000e+00 : f32
    %add3A_13 = vector.broadcast %add3A_12 : f32 to vector<1000x1xf32>
    %add3A_14 = arith.addf %add3A, %add3A_13 : vector<1000x1xf32>
    %rsqrt3A = math.rsqrt %add3A_14 : vector<1000x1xf32>
    %mul3A = vector.broadcast %rsqrt3A : vector<1000x1xf32> to vector<1000x32xf32>
    %mul3A_15 = arith.mulf %dot_general3A_5, %mul3A : vector<1000x32xf32>
    %swap3A = arith.constant 0 : index
    %swap3A_16 = arith.constant 0 : index
    %swap3A_17 = vector.load %arg4[%swap3A, %swap3A_16] : memref<1000x32xf32, #tpu.memory_space<vmem>>, vector<1000x32xf32>
    tpu.vector_store %arg4[%swap3A, %swap3A_16], %mul3A_15 {strides = array<i32>} : memref<1000x32xf32, #tpu.memory_space<vmem>>, vector<1000x32xf32>,
    return
  }
  func.func @transform_0(%arg0: i32) -> (i32, i32) {
    %c0_i32 = arith.constant 0 : i32
    %c0_i32_0 = arith.constant 0 : i32
    return %arg0, %c0_i32 : i32, i32
  }
  func.func @transform_1(%arg0: i32) -> (i32, i32) {
    %c0_i32 = arith.constant 0 : i32
    %c0_i32_0 = arith.constant 0 : i32
    %c0_i32_1 = arith.constant 0 : i32
    return %c0_i32, %c0_i32_0 : i32, i32
  }
  func.func @transform_2(%arg0: i32) -> (i32, i32, i32) {
    %c0_i32 = arith.constant 0 : i32
    %c0_i32_0 = arith.constant 0 : i32
    %c0_i32_1 = arith.constant 0 : i32
    return %c0_i32, %arg0, %c0_i32_0 : i32, i32, i32
  }
  func.func @transform_3(%arg0: i32) -> (i32, i32) {
    %c0_i32 = arith.constant 0 : i32
    %c0_i32_0 = arith.constant 0 : i32
    return %arg0, %c0_i32 : i32, i32
  }
}

module attributes {stable_mosaic.version = 14 : i64} {
  func.func @_combine_body(%arg0: i32, %arg1: memref<2x1000x32xf32, #tpu.memory_space<vmem>>, %arg2: memref<1000x32xf32, #tpu.memory_space<vmem>>, %arg3: memref<2x1000x8xf32, #tpu.memory_space<vmem>>, %arg4: memref<1x32xf32, #tpu.memory_space<vmem>>, %arg5: memref<1000x32xf32, #tpu.memory_space<vmem>>) attributes {dimension_semantics = [#tpu.dimension_semantics<arbitrary>], iteration_bounds = array<i64: 10>, scalar_prefetch = 0 : i64, scratch_operands = 0 : i64, tpu.core_type = #tpu.core_type<tc>, window_params = [{transform_indices = @transform_0, window_bounds = array<i64: 2, 1000, 32>}, {transform_indices = @transform_1, window_bounds = array<i64: 1000, 32>}, {transform_indices = @transform_2, window_bounds = array<i64: 2, 1000, 8>}, {pipeline_mode = #tpu.pipeline_mode<synchronous>, transform_indices = @transform_3, window_bounds = array<i64: 1, 32>}, {transform_indices = @transform_4, window_bounds = array<i64: 1000, 32>}]} {
    %get3A = arith.constant 0 : index
    %get3A_0 = arith.constant 0 : index
    %get3A_1 = arith.constant 0 : index
    %get3A_2 = vector.load %arg3[%get3A, %get3A_0, %get3A_1] : memref<2x1000x8xf32, #tpu.memory_space<vmem>>, vector<2x1000x8xf32>
    %slice3A = vector.extract_strided_slice %get3A_2 {offsets = [0, 0, 0], sizes = [1, 1000, 1], strides = [1, 1, 1]} : vector<2x1000x8xf32> to vector<1x1000x1xf32>
    %squeeze3A = vector.shape_cast %slice3A : vector<1x1000x1xf32> to vector<1000x1xf32>
    %slice3A_3 = vector.extract_strided_slice %get3A_2 {offsets = [1, 0, 0], sizes = [1, 1000, 1], strides = [1, 1, 1]} : vector<2x1000x8xf32> to vector<1x1000x1xf32>
    %squeeze3A_4 = vector.shape_cast %slice3A_3 : vector<1x1000x1xf32> to vector<1000x1xf32>
    %add3A = arith.addf %squeeze3A, %squeeze3A_4 : vector<1000x1xf32>
    %add3A_5 = arith.constant 1.000000e+00 : f32
    %add3A_6 = vector.broadcast %add3A_5 : f32 to vector<1000x1xf32>
    %add3A_7 = arith.addf %add3A, %add3A_6 : vector<1000x1xf32>
    %rsqrt3A = math.rsqrt %add3A_7 : vector<1000x1xf32>
    %get3A_8 = arith.constant 0 : index
    %get3A_9 = arith.constant 0 : index
    %get3A_10 = arith.constant 0 : index
    %get3A_11 = vector.load %arg1[%get3A_8, %get3A_9, %get3A_10] : memref<2x1000x32xf32, #tpu.memory_space<vmem>>, vector<1x1000x32xf32>
    %get3A_12 = vector.shape_cast %get3A_11 : vector<1x1000x32xf32> to vector<1000x32xf32>
    %get3A_13 = arith.constant 1 : index
    %get3A_14 = arith.constant 0 : index
    %get3A_15 = arith.constant 0 : index
    %get3A_16 = vector.load %arg1[%get3A_13, %get3A_14, %get3A_15] : memref<2x1000x32xf32, #tpu.memory_space<vmem>>, vector<1x1000x32xf32>
    %get3A_17 = vector.shape_cast %get3A_16 : vector<1x1000x32xf32> to vector<1000x32xf32>
    %add3A_18 = arith.addf %get3A_12, %get3A_17 : vector<1000x32xf32>
    %get3A_19 = arith.constant 0 : index
    %get3A_20 = arith.constant 0 : index
    %get3A_21 = vector.load %arg2[%get3A_19, %get3A_20] : memref<1000x32xf32, #tpu.memory_space<vmem>>, vector<1000x32xf32>
    %add3A_22 = arith.addf %add3A_18, %get3A_21 : vector<1000x32xf32>
    %mul3A = vector.broadcast %rsqrt3A : vector<1000x1xf32> to vector<1000x32xf32>
    %mul3A_23 = arith.mulf %mul3A, %add3A_22 : vector<1000x32xf32>
    %get3A_24 = arith.constant 0 : index
    %get3A_25 = arith.constant 0 : index
    %get3A_26 = vector.load %arg4[%get3A_24, %get3A_25] : memref<1x32xf32, #tpu.memory_space<vmem>>, vector<1x32xf32>
    %add3A_27 = vector.broadcast %get3A_26 : vector<1x32xf32> to vector<1000x32xf32>
    %add3A_28 = arith.addf %mul3A_23, %add3A_27 : vector<1000x32xf32>
    %mul3A_29 = vector.broadcast %rsqrt3A : vector<1000x1xf32> to vector<1000x32xf32>
    %mul3A_30 = arith.mulf %add3A_28, %mul3A_29 : vector<1000x32xf32>
    %swap3A = arith.constant 0 : index
    %swap3A_31 = arith.constant 0 : index
    %swap3A_32 = vector.load %arg5[%swap3A, %swap3A_31] : memref<1000x32xf32, #tpu.memory_space<vmem>>, vector<1000x32xf32>
    tpu.vector_store %arg5[%swap3A, %swap3A_31], %mul3A_30 {strides = array<i32>} : memref<1000x32xf32, #tpu.memory_space<vmem>>, vector<1000x32xf32>,
    return
  }
  func.func @transform_0(%arg0: i32) -> (i32, i32, i32) {
    %c0_i32 = arith.constant 0 : i32
    %c0_i32_0 = arith.constant 0 : i32
    %c0_i32_1 = arith.constant 0 : i32
    return %c0_i32, %arg0, %c0_i32_0 : i32, i32, i32
  }
  func.func @transform_1(%arg0: i32) -> (i32, i32) {
    %c0_i32 = arith.constant 0 : i32
    %c0_i32_0 = arith.constant 0 : i32
    return %arg0, %c0_i32 : i32, i32
  }
  func.func @transform_2(%arg0: i32) -> (i32, i32, i32) {
    %c0_i32 = arith.constant 0 : i32
    %c0_i32_0 = arith.constant 0 : i32
    %c0_i32_1 = arith.constant 0 : i32
    return %c0_i32, %arg0, %c0_i32_0 : i32, i32, i32
  }
  func.func @transform_3(%arg0: i32) -> (i32, i32) {
    %c0_i32 = arith.constant 0 : i32
    %c0_i32_0 = arith.constant 0 : i32
    %c0_i32_1 = arith.constant 0 : i32
    return %c0_i32, %c0_i32_0 : i32, i32
  }
  func.func @transform_4(%arg0: i32) -> (i32, i32) {
    %c0_i32 = arith.constant 0 : i32
    %c0_i32_0 = arith.constant 0 : i32
    return %arg0, %c0_i32 : i32, i32
  }
}

module attributes {stable_mosaic.version = 14 : i64} {
  func.func @_head_body(%arg0: i32, %arg1: memref<2x1000x32xf32, #tpu.memory_space<vmem>>, %arg2: memref<1000x32xf32, #tpu.memory_space<vmem>>, %arg3: memref<2x1000x8xf32, #tpu.memory_space<vmem>>, %arg4: memref<1x1x1000xi32, #tpu.memory_space<vmem>>, %arg5: memref<32x64xf32, #tpu.memory_space<vmem>>, %arg6: memref<1x64xf32, #tpu.memory_space<vmem>>, %arg7: memref<64x32xf32, #tpu.memory_space<vmem>>, %arg8: memref<1x32xf32, #tpu.memory_space<vmem>>, %arg9: memref<1x32xf32, #tpu.memory_space<vmem>>, %arg10: memref<1x32xf32, #tpu.memory_space<vmem>>, %arg11: memref<32x10xf32, #tpu.memory_space<vmem>>, %arg12: memref<1x10xf32, #tpu.memory_space<vmem>>, %arg13: memref<64x10xf32, #tpu.memory_space<vmem>>, %arg14: memref<64x40xf32, #tpu.memory_space<vmem>>) attributes {dimension_semantics = [#tpu.dimension_semantics<arbitrary>], iteration_bounds = array<i64: 10>, scalar_prefetch = 0 : i64, scratch_operands = 1 : i64, tpu.core_type = #tpu.core_type<tc>, window_params = [{transform_indices = @transform_0, window_bounds = array<i64: 2, 1000, 32>}, {transform_indices = @transform_1, window_bounds = array<i64: 1000, 32>}, {transform_indices = @transform_2, window_bounds = array<i64: 2, 1000, 8>}, {transform_indices = @transform_3, window_bounds = array<i64: 1, 1, 1000>}, {pipeline_mode = #tpu.pipeline_mode<synchronous>, transform_indices = @transform_4, window_bounds = array<i64: 32, 64>}, {pipeline_mode = #tpu.pipeline_mode<synchronous>, transform_indices = @transform_5, window_bounds = array<i64: 1, 64>}, {pipeline_mode = #tpu.pipeline_mode<synchronous>, transform_indices = @transform_6, window_bounds = array<i64: 64, 32>}, {pipeline_mode = #tpu.pipeline_mode<synchronous>, transform_indices = @transform_7, window_bounds = array<i64: 1, 32>}, {pipeline_mode = #tpu.pipeline_mode<synchronous>, transform_indices = @transform_8, window_bounds = array<i64: 1, 32>}, {pipeline_mode = #tpu.pipeline_mode<synchronous>, transform_indices = @transform_9, window_bounds = array<i64: 1, 32>}, {pipeline_mode = #tpu.pipeline_mode<synchronous>, transform_indices = @transform_10, window_bounds = array<i64: 32, 10>}, {pipeline_mode = #tpu.pipeline_mode<synchronous>, transform_indices = @transform_11, window_bounds = array<i64: 1, 10>}, {pipeline_mode = #tpu.pipeline_mode<synchronous>, transform_indices = @transform_12, window_bounds = array<i64: 64, 10>}]} {
    %eq3A = arith.constant 0 : i32
    %eq3A_0 = arith.cmpi eq, %arg0, %eq3A : i32
    %convert_element_type3A = arith.extui %eq3A_0 : i1 to i32
    %cond3A = arith.constant 0 : i32
    %cond3A_1 = arith.cmpi ne, %convert_element_type3A, %cond3A : i32
    scf.if %cond3A_1 {
      %broadcast_in_dim3A_49 = arith.constant 0.000000e+00 : f32
      %broadcast_in_dim3A_50 = vector.broadcast %broadcast_in_dim3A_49 : f32 to vector<64x40xf32>
      %swap3A_51 = arith.constant 0 : index
      %swap3A_52 = arith.constant 0 : index
      %swap3A_53 = vector.load %arg14[%swap3A_51, %swap3A_52] : memref<64x40xf32, #tpu.memory_space<vmem>>, vector<64x40xf32>
      tpu.vector_store %arg14[%swap3A_51, %swap3A_52], %broadcast_in_dim3A_50 {strides = array<i32>} : memref<64x40xf32, #tpu.memory_space<vmem>>, vector<64x40xf32>,
    } else {
    }
    %get3A = arith.constant 0 : index
    %get3A_2 = arith.constant 0 : index
    %get3A_3 = arith.constant 0 : index
    %get3A_4 = vector.load %arg3[%get3A, %get3A_2, %get3A_3] : memref<2x1000x8xf32, #tpu.memory_space<vmem>>, vector<2x1000x8xf32>
    %slice3A = vector.extract_strided_slice %get3A_4 {offsets = [0, 0, 0], sizes = [1, 1000, 1], strides = [1, 1, 1]} : vector<2x1000x8xf32> to vector<1x1000x1xf32>
    %squeeze3A = vector.shape_cast %slice3A : vector<1x1000x1xf32> to vector<1000x1xf32>
    %slice3A_5 = vector.extract_strided_slice %get3A_4 {offsets = [1, 0, 0], sizes = [1, 1000, 1], strides = [1, 1, 1]} : vector<2x1000x8xf32> to vector<1x1000x1xf32>
    %squeeze3A_6 = vector.shape_cast %slice3A_5 : vector<1x1000x1xf32> to vector<1000x1xf32>
    %add3A = arith.addf %squeeze3A, %squeeze3A_6 : vector<1000x1xf32>
    %add3A_7 = arith.constant 1.000000e+00 : f32
    %add3A_8 = vector.broadcast %add3A_7 : f32 to vector<1000x1xf32>
    %add3A_9 = arith.addf %add3A, %add3A_8 : vector<1000x1xf32>
    %rsqrt3A = math.rsqrt %add3A_9 : vector<1000x1xf32>
    %get3A_10 = arith.constant 0 : index
    %get3A_11 = arith.constant 0 : index
    %get3A_12 = arith.constant 0 : index
    %get3A_13 = vector.load %arg1[%get3A_10, %get3A_11, %get3A_12] : memref<2x1000x32xf32, #tpu.memory_space<vmem>>, vector<1x1000x32xf32>
    %get3A_14 = vector.shape_cast %get3A_13 : vector<1x1000x32xf32> to vector<1000x32xf32>
    %get3A_15 = arith.constant 1 : index
    %get3A_16 = arith.constant 0 : index
    %get3A_17 = arith.constant 0 : index
    %get3A_18 = vector.load %arg1[%get3A_15, %get3A_16, %get3A_17] : memref<2x1000x32xf32, #tpu.memory_space<vmem>>, vector<1x1000x32xf32>
    %get3A_19 = vector.shape_cast %get3A_18 : vector<1x1000x32xf32> to vector<1000x32xf32>
    %add3A_20 = arith.addf %get3A_14, %get3A_19 : vector<1000x32xf32>
    %get3A_21 = arith.constant 0 : index
    %get3A_22 = arith.constant 0 : index
    %get3A_23 = vector.load %arg2[%get3A_21, %get3A_22] : memref<1000x32xf32, #tpu.memory_space<vmem>>, vector<1000x32xf32>
    %add3A_24 = arith.addf %add3A_20, %get3A_23 : vector<1000x32xf32>
    %mul3A = vector.broadcast %rsqrt3A : vector<1000x1xf32> to vector<1000x32xf32>
    %mul3A_25 = arith.mulf %mul3A, %add3A_24 : vector<1000x32xf32>
    %get3A_26 = arith.constant 0 : index
    %get3A_27 = arith.constant 0 : index
    %get3A_28 = arith.constant 0 : index
    %get3A_29 = vector.load %arg4[%get3A_26, %get3A_27, %get3A_28] : memref<1x1x1000xi32, #tpu.memory_space<vmem>>, vector<1x1x1000xi32>
    %get3A_30 = vector.shape_cast %get3A_29 : vector<1x1x1000xi32> to vector<1000xi32>
    %broadcast_in_dim3A = vector.shape_cast %get3A_30 : vector<1000xi32> to vector<1x1000xi32>
    %iota3A = tpu.iota {dimensions = array<i32: 0>} : vector<64x1000xi32>
    %eq3A_31 = vector.broadcast %broadcast_in_dim3A : vector<1x1000xi32> to vector<64x1000xi32>
    %eq3A_32 = arith.cmpi eq, %eq3A_31, %iota3A : vector<64x1000xi32>
    %convert_element_type3A_33 = arith.extui %eq3A_32 : vector<64x1000xi1> to vector<64x1000xi32>
    %convert_element_type3A_34 = arith.sitofp %convert_element_type3A_33 : vector<64x1000xi32> to vector<64x1000xf32>
    %broadcast_in_dim3A_35 = arith.constant 1.000000e+00 : f32
    %broadcast_in_dim3A_36 = vector.broadcast %broadcast_in_dim3A_35 : f32 to vector<1000x8xf32>
    %concatenate3A = tpu.concatenate %mul3A_25, %broadcast_in_dim3A_36 in 1 : vector<1000x32xf32>, vector<1000x8xf32> -> vector<1000x40xf32>
    %get3A_37 = arith.constant 0 : index
    %get3A_38 = arith.constant 0 : index
    %get3A_39 = vector.load %arg14[%get3A_37, %get3A_38] : memref<64x40xf32, #tpu.memory_space<vmem>>, vector<64x40xf32>
    %dot_general3A = arith.constant dense<0.000000e+00> : vector<64x40xf32>
    %dot_general3A_40 = tpu.matmul %convert_element_type3A_34, %concatenate3A, %dot_general3A {dimension_numbers = #tpu.dot_dimension_numbers<[1], [0], [0], [1], [0, 0, 1, 1], [], []>, transpose_lhs_hint = false} : vector<64x1000xf32>, vector<1000x40xf32>, vector<64x40xf32> -> vector<64x40xf32>
    %add3A_41 = arith.addf %get3A_39, %dot_general3A_40 : vector<64x40xf32>
    %swap3A = arith.constant 0 : index
    %swap3A_42 = arith.constant 0 : index
    %swap3A_43 = vector.load %arg14[%swap3A, %swap3A_42] : memref<64x40xf32, #tpu.memory_space<vmem>>, vector<64x40xf32>
    tpu.vector_store %arg14[%swap3A, %swap3A_42], %add3A_41 {strides = array<i32>} : memref<64x40xf32, #tpu.memory_space<vmem>>, vector<64x40xf32>,
    %eq3A_44 = arith.constant 9 : i32
    %eq3A_45 = arith.cmpi eq, %arg0, %eq3A_44 : i32
    %convert_element_type3A_46 = arith.extui %eq3A_45 : i1 to i32
    %cond3A_47 = arith.constant 0 : i32
    %cond3A_48 = arith.cmpi ne, %convert_element_type3A_46, %cond3A_47 : i32
    scf.if %cond3A_48 {
      %get3A_49 = arith.constant 0 : index
      %get3A_50 = arith.constant 0 : index
      %get3A_51 = vector.load %arg14[%get3A_49, %get3A_50] : memref<64x40xf32, #tpu.memory_space<vmem>>, vector<64x40xf32>
      %slice3A_52 = vector.extract_strided_slice %get3A_51 {offsets = [0, 32], sizes = [64, 1], strides = [1, 1]} : vector<64x40xf32> to vector<64x1xf32>
      %slice3A_53 = vector.extract_strided_slice %get3A_51 {offsets = [0, 0], sizes = [64, 32], strides = [1, 1]} : vector<64x40xf32> to vector<64x32xf32>
      %max3A = arith.constant 1.000000e+00 : f32
      %max3A_54 = vector.broadcast %max3A : f32 to vector<64x1xf32>
      %max3A_55 = arith.maximumf %slice3A_52, %max3A_54 : vector<64x1xf32>
      %div3A = vector.broadcast %max3A_55 : vector<64x1xf32> to vector<64x32xf32>
      %div3A_56 = arith.divf %slice3A_53, %div3A : vector<64x32xf32>
      %get3A_57 = arith.constant 0 : index
      %get3A_58 = arith.constant 0 : index
      %get3A_59 = vector.load %arg5[%get3A_57, %get3A_58] : memref<32x64xf32, #tpu.memory_space<vmem>>, vector<32x64xf32>
      %dot_general3A_60 = arith.constant dense<0.000000e+00> : vector<64x64xf32>
      %dot_general3A_61 = tpu.matmul %div3A_56, %get3A_59, %dot_general3A_60 {dimension_numbers = #tpu.dot_dimension_numbers<[1], [0], [0], [1], [0, 0, 1, 1], [], []>, transpose_lhs_hint = false} : vector<64x32xf32>, vector<32x64xf32>, vector<64x64xf32> -> vector<64x64xf32>
      %get3A_62 = arith.constant 0 : index
      %get3A_63 = arith.constant 0 : index
      %get3A_64 = vector.load %arg6[%get3A_62, %get3A_63] : memref<1x64xf32, #tpu.memory_space<vmem>>, vector<1x64xf32>
      %add3A_65 = vector.broadcast %get3A_64 : vector<1x64xf32> to vector<64x64xf32>
      %add3A_66 = arith.addf %dot_general3A_61, %add3A_65 : vector<64x64xf32>
      %gt3A = arith.constant 0.000000e+00 : f32
      %gt3A_67 = vector.broadcast %gt3A : f32 to vector<64x1xf32>
      %gt3A_68 = arith.cmpf ogt, %slice3A_52, %gt3A_67 : vector<64x1xf32>
      %jit3A = arith.constant 0.000000e+00 : f32
      %broadcast_in_dim3A_69 = vector.shape_cast %gt3A_68 : vector<64x1xi1> to vector<64x1xi1>
      %broadcast_in_dim3A_70 = vector.broadcast %broadcast_in_dim3A_69 : vector<64x1xi1> to vector<64x64xi1>
      %broadcast_in_dim3A_71 = vector.broadcast %jit3A : f32 to vector<64x64xf32>
      %select_n3A = arith.select %broadcast_in_dim3A_70, %add3A_66, %broadcast_in_dim3A_71 : vector<64x64xi1>, vector<64x64xf32>
      %get3A_72 = arith.constant 0 : index
      %get3A_73 = arith.constant 0 : index
      %get3A_74 = vector.load %arg7[%get3A_72, %get3A_73] : memref<64x32xf32, #tpu.memory_space<vmem>>, vector<64x32xf32>
      %dot_general3A_75 = arith.constant dense<0.000000e+00> : vector<64x32xf32>
      %dot_general3A_76 = tpu.matmul %select_n3A, %get3A_74, %dot_general3A_75 {dimension_numbers = #tpu.dot_dimension_numbers<[1], [0], [0], [1], [0, 0, 1, 1], [], []>, transpose_lhs_hint = false} : vector<64x64xf32>, vector<64x32xf32>, vector<64x32xf32> -> vector<64x32xf32>
      %get3A_77 = arith.constant 0 : index
      %get3A_78 = arith.constant 0 : index
      %get3A_79 = vector.load %arg8[%get3A_77, %get3A_78] : memref<1x32xf32, #tpu.memory_space<vmem>>, vector<1x32xf32>
      %add3A_80 = vector.broadcast %get3A_79 : vector<1x32xf32> to vector<64x32xf32>
      %add3A_81 = arith.addf %dot_general3A_76, %add3A_80 : vector<64x32xf32>
      %max3A_82 = arith.constant 0.000000e+00 : f32
      %max3A_83 = vector.broadcast %max3A_82 : f32 to vector<64x32xf32>
      %max3A_84 = arith.maximumf %add3A_81, %max3A_83 : vector<64x32xf32>
      %reduce_sum3A = arith.constant dense<0.000000e+00> : vector<32xf32>
      %reduce_sum3A_85 = vector.multi_reduction <add>, %max3A_84, %reduce_sum3A [0] : vector<64x32xf32> to vector<32xf32>
      %div3A_86 = arith.constant 6.400000e+01 : f32
      %div3A_87 = vector.broadcast %div3A_86 : f32 to vector<32xf32>
      %div3A_88 = arith.divf %reduce_sum3A_85, %div3A_87 : vector<32xf32>
      %broadcast_in_dim3A_89 = vector.shape_cast %div3A_88 : vector<32xf32> to vector<1x32xf32>
      %sub3A = vector.broadcast %broadcast_in_dim3A_89 : vector<1x32xf32> to vector<64x32xf32>
      %sub3A_90 = arith.subf %max3A_84, %sub3A : vector<64x32xf32>
      %integer_pow3A = arith.mulf %sub3A_90, %sub3A_90 : vector<64x32xf32>
      %reduce_sum3A_91 = arith.constant dense<0.000000e+00> : vector<32xf32>
      %reduce_sum3A_92 = vector.multi_reduction <add>, %integer_pow3A, %reduce_sum3A_91 [0] : vector<64x32xf32> to vector<32xf32>
      %div3A_93 = arith.constant 6.400000e+01 : f32
      %div3A_94 = vector.broadcast %div3A_93 : f32 to vector<32xf32>
      %div3A_95 = arith.divf %reduce_sum3A_92, %div3A_94 : vector<32xf32>
      %get3A_96 = arith.constant 0 : index
      %get3A_97 = arith.constant 0 : index
      %get3A_98 = vector.load %arg9[%get3A_96, %get3A_97] : memref<1x32xf32, #tpu.memory_space<vmem>>, vector<1x32xf32>
      %broadcast_in_dim3A_99 = vector.shape_cast %div3A_88 : vector<32xf32> to vector<1x32xf32>
      %sub3A_100 = vector.broadcast %broadcast_in_dim3A_99 : vector<1x32xf32> to vector<64x32xf32>
      %sub3A_101 = arith.subf %max3A_84, %sub3A_100 : vector<64x32xf32>
      %mul3A_102 = vector.broadcast %get3A_98 : vector<1x32xf32> to vector<64x32xf32>
      %mul3A_103 = arith.mulf %mul3A_102, %sub3A_101 : vector<64x32xf32>
      %add3A_104 = arith.constant 9.99999974E-6 : f32
      %add3A_105 = vector.broadcast %add3A_104 : f32 to vector<32xf32>
      %add3A_106 = arith.addf %div3A_95, %add3A_105 : vector<32xf32>
      %rsqrt3A_107 = math.rsqrt %add3A_106 : vector<32xf32>
      %broadcast_in_dim3A_108 = vector.shape_cast %rsqrt3A_107 : vector<32xf32> to vector<1x32xf32>
      %mul3A_109 = vector.broadcast %broadcast_in_dim3A_108 : vector<1x32xf32> to vector<64x32xf32>
      %mul3A_110 = arith.mulf %mul3A_103, %mul3A_109 : vector<64x32xf32>
      %get3A_111 = arith.constant 0 : index
      %get3A_112 = arith.constant 0 : index
      %get3A_113 = vector.load %arg10[%get3A_111, %get3A_112] : memref<1x32xf32, #tpu.memory_space<vmem>>, vector<1x32xf32>
      %add3A_114 = vector.broadcast %get3A_113 : vector<1x32xf32> to vector<64x32xf32>
      %add3A_115 = arith.addf %mul3A_110, %add3A_114 : vector<64x32xf32>
      %get3A_116 = arith.constant 0 : index
      %get3A_117 = arith.constant 0 : index
      %get3A_118 = vector.load %arg11[%get3A_116, %get3A_117] : memref<32x10xf32, #tpu.memory_space<vmem>>, vector<32x10xf32>
      %dot_general3A_119 = arith.constant dense<0.000000e+00> : vector<64x10xf32>
      %dot_general3A_120 = tpu.matmul %add3A_115, %get3A_118, %dot_general3A_119 {dimension_numbers = #tpu.dot_dimension_numbers<[1], [0], [0], [1], [0, 0, 1, 1], [], []>, transpose_lhs_hint = false} : vector<64x32xf32>, vector<32x10xf32>, vector<64x10xf32> -> vector<64x10xf32>
      %get3A_121 = arith.constant 0 : index
      %get3A_122 = arith.constant 0 : index
      %get3A_123 = vector.load %arg12[%get3A_121, %get3A_122] : memref<1x10xf32, #tpu.memory_space<vmem>>, vector<1x10xf32>
      %add3A_124 = vector.broadcast %get3A_123 : vector<1x10xf32> to vector<64x10xf32>
      %add3A_125 = arith.addf %dot_general3A_120, %add3A_124 : vector<64x10xf32>
      %max3A_126 = arith.constant 0.000000e+00 : f32
      %max3A_127 = vector.broadcast %max3A_126 : f32 to vector<64x10xf32>
      %max3A_128 = arith.maximumf %add3A_125, %max3A_127 : vector<64x10xf32>
      %swap3A_129 = arith.constant 0 : index
      %swap3A_130 = arith.constant 0 : index
      %swap3A_131 = vector.load %arg13[%swap3A_129, %swap3A_130] : memref<64x10xf32, #tpu.memory_space<vmem>>, vector<64x10xf32>
      tpu.vector_store %arg13[%swap3A_129, %swap3A_130], %max3A_128 {strides = array<i32>} : memref<64x10xf32, #tpu.memory_space<vmem>>, vector<64x10xf32>,
    } else {
    }
    return
  }
  func.func @transform_0(%arg0: i32) -> (i32, i32, i32) {
    %c0_i32 = arith.constant 0 : i32
    %c0_i32_0 = arith.constant 0 : i32
    %c0_i32_1 = arith.constant 0 : i32
    return %c0_i32, %arg0, %c0_i32_0 : i32, i32, i32
  }
  func.func @transform_1(%arg0: i32) -> (i32, i32) {
    %c0_i32 = arith.constant 0 : i32
    %c0_i32_0 = arith.constant 0 : i32
    return %arg0, %c0_i32 : i32, i32
  }
  func.func @transform_2(%arg0: i32) -> (i32, i32, i32) {
    %c0_i32 = arith.constant 0 : i32
    %c0_i32_0 = arith.constant 0 : i32
    %c0_i32_1 = arith.constant 0 : i32
    return %c0_i32, %arg0, %c0_i32_0 : i32, i32, i32
  }
  func.func @transform_3(%arg0: i32) -> (i32, i32, i32) {
    %c0_i32 = arith.constant 0 : i32
    %c0_i32_0 = arith.constant 0 : i32
    %c0_i32_1 = arith.constant 0 : i32
    return %arg0, %c0_i32, %c0_i32_0 : i32, i32, i32
  }
  func.func @transform_4(%arg0: i32) -> (i32, i32) {
    %c0_i32 = arith.constant 0 : i32
    %c0_i32_0 = arith.constant 0 : i32
    %c0_i32_1 = arith.constant 0 : i32
    return %c0_i32, %c0_i32_0 : i32, i32
  }
  func.func @transform_5(%arg0: i32) -> (i32, i32) {
    %c0_i32 = arith.constant 0 : i32
    %c0_i32_0 = arith.constant 0 : i32
    %c0_i32_1 = arith.constant 0 : i32
    return %c0_i32, %c0_i32_0 : i32, i32
  }
  func.func @transform_6(%arg0: i32) -> (i32, i32) {
    %c0_i32 = arith.constant 0 : i32
    %c0_i32_0 = arith.constant 0 : i32
    %c0_i32_1 = arith.constant 0 : i32
    return %c0_i32, %c0_i32_0 : i32, i32
  }
  func.func @transform_7(%arg0: i32) -> (i32, i32) {
    %c0_i32 = arith.constant 0 : i32
    %c0_i32_0 = arith.constant 0 : i32
    %c0_i32_1 = arith.constant 0 : i32
    return %c0_i32, %c0_i32_0 : i32, i32
  }
  func.func @transform_8(%arg0: i32) -> (i32, i32) {
    %c0_i32 = arith.constant 0 : i32
    %c0_i32_0 = arith.constant 0 : i32
    %c0_i32_1 = arith.constant 0 : i32
    return %c0_i32, %c0_i32_0 : i32, i32
  }
  func.func @transform_9(%arg0: i32) -> (i32, i32) {
    %c0_i32 = arith.constant 0 : i32
    %c0_i32_0 = arith.constant 0 : i32
    %c0_i32_1 = arith.constant 0 : i32
    return %c0_i32, %c0_i32_0 : i32, i32
  }
  func.func @transform_10(%arg0: i32) -> (i32, i32) {
    %c0_i32 = arith.constant 0 : i32
    %c0_i32_0 = arith.constant 0 : i32
    %c0_i32_1 = arith.constant 0 : i32
    return %c0_i32, %c0_i32_0 : i32, i32
  }
  func.func @transform_11(%arg0: i32) -> (i32, i32) {
    %c0_i32 = arith.constant 0 : i32
    %c0_i32_0 = arith.constant 0 : i32
    %c0_i32_1 = arith.constant 0 : i32
    return %c0_i32, %c0_i32_0 : i32, i32
  }
  func.func @transform_12(%arg0: i32) -> (i32, i32) {
    %c0_i32 = arith.constant 0 : i32
    %c0_i32_0 = arith.constant 0 : i32
    %c0_i32_1 = arith.constant 0 : i32
    return %c0_i32, %c0_i32_0 : i32, i32
  }
}

</mosaic_0001>

<sc_bundles>
// kernel: kernel.11.cloned.1.call-start
scs
__scs_entry_jumppad:
0x0: {  	(pc) =	sbr.rel $0x88, $3  }
0x1: {  	(tag) =	ssettag $0x0;
	lr =	simm.s32 $0x1  }
0x2: {  	[smem:$0x3F94] =	sst lr;
	_ =	strace $0xD0000000  }
0x3: {  	_ = 	snop  }
0x4: {  	_ = 	snop  }
0x5: {  	_ = 	snop  }
0x6: {  	_ = 	snop  }
0x7: {  	_ = 	snop  }
__scs_overlays_trampoline_lowered:
0x8: {  	[smem:$0x3FA3] =	sst s0  }
0x9: {  	[smem:$0x3FA4] =	sst s1  }
0xa: {  	[smem:$0x3FA5] =	sst s2  }
0xb: {  	[smem:$0x3FA6] =	sst s3  }
0xc: {  	[smem:$0x3FA7] =	sst s4  }
0xd: {  	[smem:$0x3FA8] =	sst s5  }
0xe: {  	[smem:$0x3FA9] =	sst s6  }
0xf: {  	[smem:$0x3FAA] =	sst s7  }
0x10: {  	[smem:$0x3FAB] =	sst s8  }
0x11: {  	[smem:$0x3FAC] =	sst s9;
	s0 =	simm.s32 @!p0 $0x0  }
0x12: {  	s1 =	sld [smem:$0x3F92];
	s0 =	simm.s32 @p0 $0x1  }
0x13: {  	[smem:$0x3FAD] =	sst s0;
	s0 =	simm.s32 @!p1 $0x0  }
0x14: {  	s2 =	sld [smem:$0x3F91];
	s0 =	simm.s32 @p1 $0x1  }
0x15: {  	[smem:$0x3FAE] =	sst s0;
	s0 =	simm.s32 @!p2 $0x0  }
0x16: {  	s3 =	sld [smem:$0x3FDB];
	s0 =	simm.s32 @p2 $0x1  }
0x17: {  	s4 =	simm.s32 $0x1BF5;
	[smem:$0x3FB0] =	sst s0  }
0x18: {  	s0 =	sld [smem:$0x3F93];
	_ =	swait.ge [sflag:s4], $0x0  }
0x19: {  	s7 =	sld [smem:$0x3F94]  }
0x1a: {  	s8 =	sadd.s32 $0xFFFFE003, lr  }
0x1b: {  	s9 =	sadd.s32 $0xFFFFFEF7, lr;
	s5 =	simm.s32 $0xFFFFFFFF;
	p2 =	slt.u32 s8, $0xFFFFF086  }
0x1c: {  	p1 =	slt.u32 s9, $0xF7A;
	s5 =	simm.s32 @!p2 $0x0  }
0x1d: {  	s5 =	simm.s32 @p1 $0x1;
	p0 =	seq.s32 s7, s2  }
0x1e: {  	s7 =	smul.u32 @!p0 $0xF7A, s2;
	p2 =	seq.s32 @!p0 s5, $0x0  }
0x1f: {  	s9 =	smul.u32 $0xF7A, s1;
	s8 =	simm.s32 @!p0 $0x1BF5;
	p2 =	por !p2, p0  }
0x20: {  	[sflag:s8] =	ssyncset.s32 @!p0 $0xFFFFF086;
	s6 =	sadd.s32 @!p0 s3, s7;
	s7 =	simm.s32 @!p0 $0x108  }
0x21: {  	s3 =	sadd.s32 s3, s9;
	s6 =	sadd.s32 @!p0 $0x88, s6;
	s7 =	simm.s32 @p2 $0x1082  }
0x22: {  	[simem:s7], [sflag:s8] =	dma.local @!p0 [hbm:s6], $0xF7A  }
0x23: {  	s9 =	sor.u32 $0xD0000000, s2;
	s6 =	simm.s32 $0x108;
	_ =	swait.ge @!p0 [sflag:s8], $0x0  }
0x24: {  	s3 =	sadd.s32 $0x88, s3;
	s6 =	simm.s32 @!p1 $0x1082;
	[sflag:s4] =	ssyncset.s32 $0xFFFFF086  }
0x25: {  	[simem:s6], [sflag:s4] =	dma.local [hbm:s3], $0xF7A  }
0x26: {  	[smem:$0x3F94] =	sst s1;
	(tag) =	ssettag s2;
	_ =	strace s9  }
0x27: {  	s1 =	sld [smem:$0x3FA4]  }
0x28: {  	s2 =	sld [smem:$0x3FA5]  }
0x29: {  	s4 =	sld [smem:$0x3FA7]  }
0x2a: {  	p0 =	seq.s32 s5, $0x0;
	s5 =	sld [smem:$0x3FA8]  }
0x2b: {  	s6 =	sld [smem:$0x3FA9]  }
0x2c: {  	s7 =	sld [smem:$0x3FAA]  }
0x2d: {  	s3 =	simm.s32 $0x108;
	s8 =	sld [smem:$0x3FAB]  }
0x2e: {  	s3 =	simm.s32 @!p0 $0x1082;
	s9 =	sld [smem:$0x3FAC]  }
0x2f: {  	lr =	sadd.s32 s0, s3;
	s0 =	sld [smem:$0x3FA3]  }
0x30: {  	s3 =	sld [smem:$0x3FA6]  }
0x31: {  	[smem:$0x3FAF] =	sst s10  }
0x32: {  	s10 =	sld [smem:$0x3FAD];
	_ =	sdelay $0x3  }
0x33: {  	p0 =	seq.s32 s10, $0x1;
	s10 =	sld [smem:$0x3FAF];
	_ =	sdelay $0x3  }
0x34: {  	[smem:$0x3FAF] =	sst s10  }
0x35: {  	s10 =	sld [smem:$0x3FAE];
	_ =	sdelay $0x3  }
0x36: {  	p1 =	seq.s32 s10, $0x1;
	s10 =	sld [smem:$0x3FAF];
	_ =	sdelay $0x3  }
0x37: {  	[smem:$0x3FAF] =	sst s10  }
0x38: {  	s10 =	sld [smem:$0x3FB0]  }
0x39: {  	_ = 	snop;
	(pc) =	sbr.ind lr, $3  }
0x3a: {  	_ = 	snop  }
0x3b: {  	_ = 	snop  }
0x3c: {  	p2 =	seq.s32 s10, $0x1;
	s10 =	sld [smem:$0x3FAF]  }
0x3d: {  	_ =	shalt  }
0x3e: {  	_ =	shalt  }
0x3f: {  	_ =	shalt  }
0x40: {  	_ =	shalt  }
0x41: {  	_ =	shalt  }
0x42: {  	_ =	shalt  }
0x43: {  	_ =	shalt  }
0x44: {  	_ =	shalt  }
0x45: {  	_ =	shalt  }
0x46: {  	_ =	shalt  }
0x47: {  	_ =	shalt  }
0x48: {  	_ =	shalt  }
0x49: {  	_ =	shalt  }
0x4a: {  	_ =	shalt  }
0x4b: {  	_ =	shalt  }
0x4c: {  	_ =	shalt  }
0x4d: {  	_ =	shalt  }
0x4e: {  	_ =	shalt  }
0x4f: {  	_ =	shalt  }
0x50: {  	_ =	shalt  }
0x51: {  	_ =	shalt  }
0x52: {  	_ =	shalt  }
0x53: {  	_ =	shalt  }
0x54: {  	_ =	shalt  }
0x55: {  	_ =	shalt  }
0x56: {  	_ =	shalt  }
0x57: {  	_ =	shalt  }
0x58: {  	_ =	shalt  }
0x59: {  	_ =	shalt  }
0x5a: {  	_ =	shalt  }
0x5b: {  	_ =	shalt  }
0x5c: {  	_ =	shalt  }
0x5d: {  	_ =	shalt  }
0x5e: {  	_ =	shalt  }
0x5f: {  	_ =	shalt  }
0x60: {  	_ =	shalt  }
0x61: {  	_ =	shalt  }
0x62: {  	_ =	shalt  }
0x63: {  	_ =	shalt  }
0x64: {  	_ =	shalt  }
0x65: {  	_ =	shalt  }
0x66: {  	_ =	shalt  }
0x67: {  	_ =	shalt  }
0x68: {  	_ =	shalt  }
0x69: {  	_ =	shalt  }
0x6a: {  	_ =	shalt  }
0x6b: {  	_ =	shalt  }
0x6c: {  	_ =	shalt  }
0x6d: {  	_ =	shalt  }
0x6e: {  	_ =	shalt  }
0x6f: {  	_ =	shalt  }
0x70: {  	_ =	shalt  }
0x71: {  	_ =	shalt  }
0x72: {  	_ =	shalt  }
0x73: {  	_ =	shalt  }
0x74: {  	_ =	shalt  }
0x75: {  	_ =	shalt  }
0x76: {  	_ =	shalt  }
0x77: {  	_ =	shalt  }
0x78: {  	_ =	shalt  }
0x79: {  	_ =	shalt  }
0x7a: {  	_ =	shalt  }
0x7b: {  	_ =	shalt  }
0x7c: {  	_ =	shalt  }
0x7d: {  	_ =	shalt  }
0x7e: {  	_ =	shalt  }
0x7f: {  	_ =	shalt  }
0x80: {  	_ =	shalt  }
0x81: {  	_ =	shalt  }
0x82: {  	_ =	shalt  }
0x83: {  	_ =	shalt  }
0x84: {  	_ =	shalt  }
0x85: {  	_ =	shalt  }
0x86: {  	_ =	shalt  }
0x87: {  	_ =	shalt  }
.Lfunc_end0:
.L_simem_size_0:
called_computation.1_lowered:
.L_overlay_start_0:
0x88: {  	s2 =	sld [smem:$0x3FD9]  }
0x89: {  	s3 =	sld [smem:$0x3FFE];
	_ =	sdelay $0x1  }
0x8a: {  	s1 =	srdreg.scid  }
0x8b: {  	s0 =	sand.u32 $0x1, s1  }
0x8c: {  	s16 =	sshll.u32 s0, $0xA;
	s2 =	sadd.s32 s3, s2  }
0x8d: {  	s2 =	sadd.s32 s2, s16  }
0x8e: {  	[smem:$0x3FBB] =	sst s2  }
0x8f: {  	_ = 	snop  }
0x90: {  	(tm) =	ssettm $0x1  }
0x91: {  	s17 =	sld [smem:$0x3FFB];
	_ =	sdelay $0x3  }
0x92: {  	_ =	strace s17  }
0x93: {  	s2 =	sld [smem:$0x3FFC];
	_ =	sdelay $0x3  }
0x94: {  	_ =	strace s2  }
0x95: {  	s2 =	sld [smem:$0x3FFD];
	_ =	sdelay $0x3  }
0x96: {  	_ =	strace s2  }
0x97: {  	_ =	strace $0x8FFFFFFF  }
0x98: {  	s18 =	sld [smem:$0x3FDB];
	_ =	sdelay $0x1  }
0x99: {  	s19 =	simm.s32 $_scs_section_size  }
0x9a: {  	s4 =	simm.s32 $_size__tile_overlayer_lowered;
	s5 =	simm.s32 $_tile_overlayer_lowered  }
0x9b: {  	s22 =	simm.s32 $0x1BFF;
	s21 =	sshll.u32 s5, $0x1;
	s2 =	sadd.s32 s19, s18  }
0x9c: {  	s6 =	simm.s32 $0x0;
	s20 =	sshll.u32 s4, $0x1;
	s4 =	sadd.s32 s21, s2  }
0x9d: {  	[timem:s6], [sflag:s22] =	dma.local [hbm:s4], s20  }
0x9e: {  	_ =	swait.ge [sflag:s22], s20  }
0x9f: {  	s3 =	ssub.s32 $0x0, s20;
	[sflag:s22] =	ssyncset.done $0x0  }
0xa0: {  	[sflag:s22] =	ssyncadd.s32 s3;
	_ =	sdelay $0x1  }
0xa1: {  	s23 =	simm.s32 $0x1B8B  }
0xa2: {  	_ =	swait.ge [sflag:s23], $0x1  }
0xa3: {  	[sflag:s23] =	ssyncset.done $0x0  }
0xa4: {  	s25 =	simm.s32 $0x1B8E;
	s24 =	sld [smem:$0x3FFE];
	[sflag:s23] =	ssyncadd.s32 $0xFFFFFFFF  }
0xa5: {  	s26 =	simm.s32 $execute0_lowered;
	[smem:$0x3FD2] =	sst s25  }
0xa6: {  	s4 =	sshll.u32 s26, $0x1;
	_ =	strace $0x80000049;
	[dreg:$0x1] =	wrdreg $0xFFFFFFFF  }
0xa7: {  	s28 =	simm.s32 $_size_execute0_lowered;
	s2 =	sadd.s32 s2, s4;
	[dreg:$0x0] =	wrdreg $0x0  }
0xa8: {  	s4 =	sshll.u32 s28, $0x1;
	[dreg:$0x2] =	wrdreg s2  }
0xa9: {  	[dreg:$0x3] =	wrdreg s4  }
0xaa: {  	[dreg:$0x4] =	wrdreg $0xC0  }
0xab: {  	_ =	task [dreg:s6], $0x5FFFF  }
0xac: {  	[dreg:$0x1] =	wrdreg $0xFFFFFFFF  }
0xad: {  	[dreg:$0x0] =	wrdreg $0x60  }
0xae: {  	[dreg:$0x2] =	wrdreg s24  }
0xaf: {  	[dreg:$0x3] =	wrdreg $0x29000  }
0xb0: {  	[dreg:$0x4] =	wrdreg $0x77200  }
0xb1: {  	[dreg:$0x5] =	wrdreg $0x9  }
0xb2: {  	_ =	task.clear_ibuf [dreg:s6], $0x6FFFF;
	_ =	strace $0x90000049  }
0xb3: {  	s29 =	simm.s32 $0x9;
	_ =	strace $0x8000004B  }
0xb4: {  	_ =	swait.ge [sflag:s29], $0x1  }
0xb5: {  	[sflag:s29] =	ssyncadd.s32 $0xFFFFFFFF  }
0xb6: {  	_ =	strace $0x9000004B  }
0xb7: {  	_ =	sfence  }
0xb8: {  	s30 =	sld [smem:$0x0];
	_ =	sdelay $0x2  }
0xb9: {  	s31 =	sshll.u32 s1, $0xD;
	s1 =	sshrl.u32 s1, $0x2  }
0xba: {  	s3 =	sand.u32 $0x4000, s31;
	s1 =	sadd.s32 s1, s30  }
0xbb: {  	s0 =	sor.u32 s3, s0;
	s1 =	sshll.u32 s1, $0x11  }
0xbc: {  	s0 =	sor.u32 s1, s0  }
0xbd: {  	s0 =	sadd.s32 $0x8F2B, s0  }
0xbe: {  	[sflag:s0] =	ssyncadd.remote.s32 $0x1  }
0xbf: {  	_ =	sfence.sel $0xFFFF  }
0xc0: {  	[dreg:$0x0] =	wrdreg $0xFFFFFFFF;
	(pc) =	sbr.abs _section_cstart, $3  }
0xc1: {  	[dreg:$0x1] =	wrdreg $0xFFFFFFFF  }
0xc2: {  	_ =	task.clear_ibuf [dreg:s6], $0x2FFFF;
	_ =	strace $0x9FFFFFFF  }
0xc3: {  	(tm) =	ssettm $0x7FFFFFFF  }
tec
execute0_lowered:
.L_overlay_start_1:
0x0: {  	(tag) =	ssettag $0x1  }
0x1: {  	s5 =	rddreg [dreg:$0x0]  }
0x2: {  	s2 =	rddreg [dreg:$0x1]  }
0x3: {  	s3 =	rddreg [dreg:$0x2];
	s0 =	stileid.u32  }
0x4: {  	s4 =	srdreg.scid;
	s1 =	rddreg [dreg:$0x3]  }
0x5: {  	s15 =	simm.s32 $0x80;
	s16 =	simm.s32 $0x50;
	s17 =	simm.s32 $0x100  }
0x6: {  	s18 =	simm.s32 $0x1;
	s19 =	simm.s32 $0x0;
	s6 =	smul.u32 $0x278, s0  }
0x7: {  	s7 =	sand.u32 $0x1, s4;
	s8 =	smul.u32 $0x4E20, s0;
	s4 =	simm.s32 $0x0  }
0x8: {  	s31 =	sshll.u32 s0, $0x6;
	s9 =	smul.u32 $0x2710, s7;
	[smem:$0x7FF] =	sst s4  }
0x9: {  	s11 =	smul.u32 $0x138800, s7;
	s7 =	ssub.s32 $0x2, s7;
	s6 =	smin.u32 s6, $0x2498  }
0xa: {  	_ =	strace $0x8000004A;
	s29 =	sshrl.u32 s7, $0x1;
	s10 =	sshll.u32 s6, $0x4  }
0xb: {  	s12 =	sshll.u32 s6, $0x7;
	s26 =	sadd.s32 s9, s8;
	s9 =	ssub.s32 s7, s29  }
0xc: {  	s10 =	sadd.s32 s10, s5;
	s28 =	sadd.s32 s11, s12;
	s6 =	sshrl.u32 s26, $0x3  }
0xd: {  	s13 =	sadd.s32 s12, s2;
	s14 =	sadd.s32 s12, s3;
	s9 =	smax.u32 s9, $0x1  }
0xe: {  	s8 =	sshrl.u32 s28, $0x3;
	s30 =	sadd.s32 s6, s5;
	s6 =	sor.u32 $0x1C02, s31  }
0xf: {  	s7 =	sadd.s32 $0x16C00, s10;
	s12 =	sshrl.u32 s13, $0x3;
	s13 =	simm.s32 $0x2  }
0x10: {  	s14 =	sshrl.u32 s14, $0x3;
	s8 =	sadd.s32 s8, s5;
	s5 =	sadd.s32 $0x8C000, s10  }
0x11: {  	s10 =	sadd.s32 $0xCE00, s30;
	s11 =	sadd.s32 $0x3000, s30;
	s8 =	sadd.s32 $0xB3200, s8  }
.LBB2_1:
0x12: {  	[spmem:s12], [sflag:s6] =	dma.local [hbm:s5], $0x2780  }
0x13: {  	_ =	swait.ge [sflag:s13], $0x2780  }
0x14: {  	[sflag:s13] =	ssyncset.done $0x0  }
0x15: {  	[sflag:s13] =	ssyncadd.s32 $0xFFFFD880  }
0x16: {  	[spmem:s14], [sflag:s6] =	dma.local [hbm:s7], $0x2780  }
0x17: {  	_ =	swait.ge [sflag:s13], $0x2780  }
0x18: {  	[sflag:s13] =	ssyncset.done $0x0  }
0x19: {  	[sflag:s13] =	ssyncadd.s32 $0xFFFFD880  }
0x1a: {  	s20 =	sadd.s32 $0x0, s11;
	[bflag:$0x0] =	sbarrier.arrive $0xFFFF  }
0x1b: {  	[tilespmem:s4], [sflag:$0x2] =	stream.linear.gather [hbm4b:s20+s4], $0x50, $0x38;
	[tilespmem:$0xC540] =	vst v63  }
0x1c: {  	_ =	swait.ge [sflag:s13], $0x50  }
0x1d: {  	[sflag:s13] =	ssyncset.done $0x0  }
0x1e: {  	s31 =	sadd.s32 $0x0, s10;
	[sflag:s13] =	ssyncadd.s32 $0xFFFFFFB0  }
0x1f: {  	[tilespmem:s15], [sflag:$0x2] =	stream.linear.gather [hbm4b:s31+s4], $0x50, $0x38;
	[tilespmem:$0xC540] =	vst v63  }
0x20: {  	_ =	swait.ge [sflag:s13], $0x50  }
0x21: {  	[sflag:s13] =	ssyncset.done $0x0  }
0x22: {  	[sflag:s13] =	ssyncadd.s32 $0xFFFFFFB0  }
0x23: {  	[tilespmem:s17], [sflag:$0x1] =	stream.indirect.gather [spmem:s3], $0x20, s4, s16, $0xb8;
	[tilespmem:$0xC540] =	vst v63  }
0x24: {  	_ =	swait.ge [sflag:s18], $0xA00  }
0x25: {  	[sflag:s18] =	ssyncset.done $0x0  }
0x26: {  	[sflag:s18] =	ssyncadd.s32 $0xFFFFF600  }
0x27: {  	[spmem:s2] =	stream.indirect.scatter.add.f32 [tilespmem:s17], [sflag:$0x2], $0x20, s15, s16, $0xb8;
	[tilespmem:$0xC540] =	vst v63  }
0x28: {  	_ =	swait.ge [sflag:s13], $0xA00  }
0x29: {  	s21 =	simm.s32 $0x14;
	s20 =	simm.s32 $0xA;
	[sflag:s13] =	ssyncset.done $0x0  }
.LBB2_2:
0x2a: {  	s22 =	sadd.s32 s20, s11  }
0x2b: {  	[sflag:s13] =	ssyncadd.s32 $0xFFFFF600;
	s23 =	smov.u32 s21;
	s24 =	sadd.s32 $0xA, s21  }
0x2c: {  	[tilespmem:s4], [sflag:$0x2] =	stream.linear.gather [hbm4b:s22+s4], $0x50, $0x38;
	[tilespmem:$0xC540] =	vst v63  }
0x2d: {  	p0 =	sne.s32 s21, $0x4D8;
	_ =	swait.ge [sflag:s13], $0x50  }
0x2e: {  	[sflag:s13] =	ssyncset.done $0x0  }
0x2f: {  	s21 =	sadd.s32 s20, s10;
	s20 =	smov.u32 s23;
	[sflag:s13] =	ssyncadd.s32 $0xFFFFFFB0  }
0x30: {  	[tilespmem:s15], [sflag:$0x2] =	stream.linear.gather [hbm4b:s21+s4], $0x50, $0x38;
	[tilespmem:$0xC540] =	vst v63  }
0x31: {  	_ =	swait.ge [sflag:s13], $0x50  }
0x32: {  	[sflag:s13] =	ssyncset.done $0x0  }
0x33: {  	[sflag:s13] =	ssyncadd.s32 $0xFFFFFFB0  }
0x34: {  	[tilespmem:s17], [sflag:$0x1] =	stream.indirect.gather [spmem:s3], $0x20, s4, s16, $0xb8;
	[tilespmem:$0xC540] =	vst v63  }
0x35: {  	_ =	swait.ge [sflag:s18], $0xA00  }
.Ltmp0:
0x36: {  	[sflag:s18] =	ssyncset.done $0x0;
	(pc) =	sbr.rel @p0 .LBB2_2-.Ltmp0, $4  }
0x37: {  	[sflag:s18] =	ssyncadd.s32 $0xFFFFF600  }
0x38: {  	[spmem:s2] =	stream.indirect.scatter.add.f32 [tilespmem:s17], [sflag:$0x2], $0x20, s15, s16, $0xb8;
	[tilespmem:$0xC540] =	vst v63  }
0x39: {  	_ =	swait.ge [sflag:s13], $0xA00  }
0x3a: {  	s21 =	smov.u32 s24;
	[sflag:s13] =	ssyncset.done $0x0  }
0x3b: {  	s21 =	sadd.s32 s20, s11;
	[sflag:s13] =	ssyncadd.s32 $0xFFFFF600  }
0x3c: {  	[tilespmem:s4], [sflag:$0x2] =	stream.linear.gather [hbm4b:s21+s4], $0x50, $0x38;
	[tilespmem:$0xC540] =	vst v63  }
0x3d: {  	_ =	swait.ge [sflag:s13], $0x50  }
0x3e: {  	[sflag:s13] =	ssyncset.done $0x0  }
0x3f: {  	s31 =	sadd.s32 s20, s10;
	[sflag:s13] =	ssyncadd.s32 $0xFFFFFFB0  }
0x40: {  	[tilespmem:s15], [sflag:$0x2] =	stream.linear.gather [hbm4b:s31+s4], $0x50, $0x38;
	[tilespmem:$0xC540] =	vst v63  }
0x41: {  	_ =	swait.ge [sflag:s13], $0x50  }
0x42: {  	[sflag:s13] =	ssyncset.done $0x0  }
0x43: {  	[sflag:s13] =	ssyncadd.s32 $0xFFFFFFB0  }
0x44: {  	[tilespmem:s17], [sflag:$0x1] =	stream.indirect.gather [spmem:s3], $0x20, s4, s16, $0xb8;
	[tilespmem:$0xC540] =	vst v63  }
0x45: {  	_ =	swait.ge [sflag:s18], $0xA00  }
0x46: {  	[sflag:s18] =	ssyncset.done $0x0  }
0x47: {  	[sflag:s18] =	ssyncadd.s32 $0xFFFFF600  }
0x48: {  	[spmem:s2] =	stream.indirect.scatter.add.f32 [tilespmem:s17], [sflag:$0x2], $0x20, s15, s16, $0xb8;
	[tilespmem:$0xC540] =	vst v63  }
0x49: {  	_ =	swait.ge [sflag:s13], $0xA00  }
0x4a: {  	s19 =	sadd.s32 $0x1, s19;
	[sflag:s13] =	ssyncset.done $0x0  }
0x4b: {  	p0 =	sne.s32 s19, s9;
	[sflag:s13] =	ssyncadd.s32 $0xFFFFF600  }
.Ltmp1:
0x4c: {  	[bflag:$0x0] =	sbarrier.arrive $0xFFFF;
	(pc) =	sbr.rel @p0 .LBB2_1-.Ltmp1, $4  }
0x4d: {  	[hbm:s8], [sflag:s6] =	dma.local [spmem:s12], $0x2780  }
0x4e: {  	_ =	swait.ge [sflag:s13], $0x2780  }
0x4f: {  	[sflag:s13] =	ssyncset.done $0x0  }
0x50: {  	[sflag:s13] =	ssyncadd.s32 $0xFFFFD880  }
0x51: {  	_ =	sfence.sel $0x180000  }
0x52: {  	[bflag:$0x0] =	sbarrier.arrive $0xFFFF  }
0x53: {  	p0 =	sne.s32 s0, $0x0;
	_ =	strace $0x9000004A  }
0x54: {  	s0 =	sadd.s32 @!p0 $0x100000, s1;
	[bflag:$0x2] =	sbarrier.arrive $0xFFFF  }
0x55: {  	[sflag:s0] =	ssyncadd.tile.s32 @!p0 $0x1;
	_ =	shalt  }
.Lfunc_end2:
_tile_overlayer_lowered:
.L_overlay_start_2:
0x56: {  	(tag) =	ssettag $0x2  }
0x57: {  	s0 =	rddreg [dreg:$0x0];
	s2 =	stileid.u32  }
0x58: {  	s1 =	rddreg [dreg:$0x1];
	p0 =	sne.s32 s2, $0x0  }
0x59: {  	s3 =	rddreg [dreg:$0x2];
	[bflag:$0x3] =	sbarrier.arrive $0xFFFF;
	s2 =	simm.s32 @!p0 $0x1C02  }
0x5a: {  	[timem:s3], [sflag:s2] =	dma.local @!p0 [hbm:s0], s1  }
0x5b: {  	s0 =	simm.s32 @!p0 $0x2  }
0x5c: {  	_ =	swait.ge @!p0 [sflag:s0], s1  }
0x5d: {  	s1 =	ssub.s32 @!p0 $0x0, s1;
	[sflag:s0] =	ssyncset.done @!p0 $0x0  }
0x5e: {  	[sflag:s0] =	ssyncadd.s32 @!p0 s1  }
0x5f: {  	[bflag:$0x3] =	sbarrier.arrive $0xFFFF  }
0x60: {  	_ =	shalt  }

// kernel: kernel.14.cloned.1.call-start
scs
__scs_entry_jumppad:
0x0: {  	(pc) =	sbr.rel $0x88, $3  }
0x1: {  	(tag) =	ssettag $0x0;
	lr =	simm.s32 $0x1  }
0x2: {  	[smem:$0x3F94] =	sst lr;
	_ =	strace $0xD0000000  }
0x3: {  	_ = 	snop  }
0x4: {  	_ = 	snop  }
0x5: {  	_ = 	snop  }
0x6: {  	_ = 	snop  }
0x7: {  	_ = 	snop  }
__scs_overlays_trampoline_lowered:
0x8: {  	[smem:$0x3FA3] =	sst s0  }
0x9: {  	[smem:$0x3FA4] =	sst s1  }
0xa: {  	[smem:$0x3FA5] =	sst s2  }
0xb: {  	[smem:$0x3FA6] =	sst s3  }
0xc: {  	[smem:$0x3FA7] =	sst s4  }
0xd: {  	[smem:$0x3FA8] =	sst s5  }
0xe: {  	[smem:$0x3FA9] =	sst s6  }
0xf: {  	[smem:$0x3FAA] =	sst s7  }
0x10: {  	[smem:$0x3FAB] =	sst s8  }
0x11: {  	[smem:$0x3FAC] =	sst s9;
	s0 =	simm.s32 @!p0 $0x0  }
0x12: {  	s1 =	sld [smem:$0x3F92];
	s0 =	simm.s32 @p0 $0x1  }
0x13: {  	[smem:$0x3FAD] =	sst s0;
	s0 =	simm.s32 @!p1 $0x0  }
0x14: {  	s2 =	sld [smem:$0x3F91];
	s0 =	simm.s32 @p1 $0x1  }
0x15: {  	[smem:$0x3FAE] =	sst s0;
	s0 =	simm.s32 @!p2 $0x0  }
0x16: {  	s3 =	sld [smem:$0x3FDB];
	s0 =	simm.s32 @p2 $0x1  }
0x17: {  	s4 =	simm.s32 $0x1BF5;
	[smem:$0x3FB0] =	sst s0  }
0x18: {  	s0 =	sld [smem:$0x3F93];
	_ =	swait.ge [sflag:s4], $0x0  }
0x19: {  	s7 =	sld [smem:$0x3F94]  }
0x1a: {  	s8 =	sadd.s32 $0xFFFFE003, lr  }
0x1b: {  	s9 =	sadd.s32 $0xFFFFFEF7, lr;
	s5 =	simm.s32 $0xFFFFFFFF;
	p2 =	slt.u32 s8, $0xFFFFF086  }
0x1c: {  	p1 =	slt.u32 s9, $0xF7A;
	s5 =	simm.s32 @!p2 $0x0  }
0x1d: {  	s5 =	simm.s32 @p1 $0x1;
	p0 =	seq.s32 s7, s2  }
0x1e: {  	s7 =	smul.u32 @!p0 $0xF7A, s2;
	p2 =	seq.s32 @!p0 s5, $0x0  }
0x1f: {  	s9 =	smul.u32 $0xF7A, s1;
	s8 =	simm.s32 @!p0 $0x1BF5;
	p2 =	por !p2, p0  }
0x20: {  	[sflag:s8] =	ssyncset.s32 @!p0 $0xFFFFF086;
	s6 =	sadd.s32 @!p0 s3, s7;
	s7 =	simm.s32 @!p0 $0x108  }
0x21: {  	s3 =	sadd.s32 s3, s9;
	s6 =	sadd.s32 @!p0 $0x88, s6;
	s7 =	simm.s32 @p2 $0x1082  }
0x22: {  	[simem:s7], [sflag:s8] =	dma.local @!p0 [hbm:s6], $0xF7A  }
0x23: {  	s9 =	sor.u32 $0xD0000000, s2;
	s6 =	simm.s32 $0x108;
	_ =	swait.ge @!p0 [sflag:s8], $0x0  }
0x24: {  	s3 =	sadd.s32 $0x88, s3;
	s6 =	simm.s32 @!p1 $0x1082;
	[sflag:s4] =	ssyncset.s32 $0xFFFFF086  }
0x25: {  	[simem:s6], [sflag:s4] =	dma.local [hbm:s3], $0xF7A  }
0x26: {  	[smem:$0x3F94] =	sst s1;
	(tag) =	ssettag s2;
	_ =	strace s9  }
0x27: {  	s1 =	sld [smem:$0x3FA4]  }
0x28: {  	s2 =	sld [smem:$0x3FA5]  }
0x29: {  	s4 =	sld [smem:$0x3FA7]  }
0x2a: {  	p0 =	seq.s32 s5, $0x0;
	s5 =	sld [smem:$0x3FA8]  }
0x2b: {  	s6 =	sld [smem:$0x3FA9]  }
0x2c: {  	s7 =	sld [smem:$0x3FAA]  }
0x2d: {  	s3 =	simm.s32 $0x108;
	s8 =	sld [smem:$0x3FAB]  }
0x2e: {  	s3 =	simm.s32 @!p0 $0x1082;
	s9 =	sld [smem:$0x3FAC]  }
0x2f: {  	lr =	sadd.s32 s0, s3;
	s0 =	sld [smem:$0x3FA3]  }
0x30: {  	s3 =	sld [smem:$0x3FA6]  }
0x31: {  	[smem:$0x3FAF] =	sst s10  }
0x32: {  	s10 =	sld [smem:$0x3FAD];
	_ =	sdelay $0x3  }
0x33: {  	p0 =	seq.s32 s10, $0x1;
	s10 =	sld [smem:$0x3FAF];
	_ =	sdelay $0x3  }
0x34: {  	[smem:$0x3FAF] =	sst s10  }
0x35: {  	s10 =	sld [smem:$0x3FAE];
	_ =	sdelay $0x3  }
0x36: {  	p1 =	seq.s32 s10, $0x1;
	s10 =	sld [smem:$0x3FAF];
	_ =	sdelay $0x3  }
0x37: {  	[smem:$0x3FAF] =	sst s10  }
0x38: {  	s10 =	sld [smem:$0x3FB0]  }
0x39: {  	_ = 	snop;
	(pc) =	sbr.ind lr, $3  }
0x3a: {  	_ = 	snop  }
0x3b: {  	_ = 	snop  }
0x3c: {  	p2 =	seq.s32 s10, $0x1;
	s10 =	sld [smem:$0x3FAF]  }
0x3d: {  	_ =	shalt  }
0x3e: {  	_ =	shalt  }
0x3f: {  	_ =	shalt  }
0x40: {  	_ =	shalt  }
0x41: {  	_ =	shalt  }
0x42: {  	_ =	shalt  }
0x43: {  	_ =	shalt  }
0x44: {  	_ =	shalt  }
0x45: {  	_ =	shalt  }
0x46: {  	_ =	shalt  }
0x47: {  	_ =	shalt  }
0x48: {  	_ =	shalt  }
0x49: {  	_ =	shalt  }
0x4a: {  	_ =	shalt  }
0x4b: {  	_ =	shalt  }
0x4c: {  	_ =	shalt  }
0x4d: {  	_ =	shalt  }
0x4e: {  	_ =	shalt  }
0x4f: {  	_ =	shalt  }
0x50: {  	_ =	shalt  }
0x51: {  	_ =	shalt  }
0x52: {  	_ =	shalt  }
0x53: {  	_ =	shalt  }
0x54: {  	_ =	shalt  }
0x55: {  	_ =	shalt  }
0x56: {  	_ =	shalt  }
0x57: {  	_ =	shalt  }
0x58: {  	_ =	shalt  }
0x59: {  	_ =	shalt  }
0x5a: {  	_ =	shalt  }
0x5b: {  	_ =	shalt  }
0x5c: {  	_ =	shalt  }
0x5d: {  	_ =	shalt  }
0x5e: {  	_ =	shalt  }
0x5f: {  	_ =	shalt  }
0x60: {  	_ =	shalt  }
0x61: {  	_ =	shalt  }
0x62: {  	_ =	shalt  }
0x63: {  	_ =	shalt  }
0x64: {  	_ =	shalt  }
0x65: {  	_ =	shalt  }
0x66: {  	_ =	shalt  }
0x67: {  	_ =	shalt  }
0x68: {  	_ =	shalt  }
0x69: {  	_ =	shalt  }
0x6a: {  	_ =	shalt  }
0x6b: {  	_ =	shalt  }
0x6c: {  	_ =	shalt  }
0x6d: {  	_ =	shalt  }
0x6e: {  	_ =	shalt  }
0x6f: {  	_ =	shalt  }
0x70: {  	_ =	shalt  }
0x71: {  	_ =	shalt  }
0x72: {  	_ =	shalt  }
0x73: {  	_ =	shalt  }
0x74: {  	_ =	shalt  }
0x75: {  	_ =	shalt  }
0x76: {  	_ =	shalt  }
0x77: {  	_ =	shalt  }
0x78: {  	_ =	shalt  }
0x79: {  	_ =	shalt  }
0x7a: {  	_ =	shalt  }
0x7b: {  	_ =	shalt  }
0x7c: {  	_ =	shalt  }
0x7d: {  	_ =	shalt  }
0x7e: {  	_ =	shalt  }
0x7f: {  	_ =	shalt  }
0x80: {  	_ =	shalt  }
0x81: {  	_ =	shalt  }
0x82: {  	_ =	shalt  }
0x83: {  	_ =	shalt  }
0x84: {  	_ =	shalt  }
0x85: {  	_ =	shalt  }
0x86: {  	_ =	shalt  }
0x87: {  	_ =	shalt  }
.Lfunc_end0:
.L_simem_size_0:
called_computation.2_lowered:
.L_overlay_start_0:
0x88: {  	s2 =	sld [smem:$0x3FD9]  }
0x89: {  	s3 =	sld [smem:$0x3FFE];
	_ =	sdelay $0x1  }
0x8a: {  	s1 =	srdreg.scid  }
0x8b: {  	s0 =	sand.u32 $0x1, s1  }
0x8c: {  	s16 =	sshll.u32 s0, $0xA;
	s2 =	sadd.s32 s3, s2  }
0x8d: {  	s2 =	sadd.s32 s2, s16  }
0x8e: {  	[smem:$0x3FBB] =	sst s2  }
0x8f: {  	_ = 	snop  }
0x90: {  	(tm) =	ssettm $0x1  }
0x91: {  	s17 =	sld [smem:$0x3FFB];
	_ =	sdelay $0x3  }
0x92: {  	_ =	strace s17  }
0x93: {  	s2 =	sld [smem:$0x3FFC];
	_ =	sdelay $0x3  }
0x94: {  	_ =	strace s2  }
0x95: {  	s2 =	sld [smem:$0x3FFD];
	_ =	sdelay $0x3  }
0x96: {  	_ =	strace s2  }
0x97: {  	_ =	strace $0x8FFFFFFF  }
0x98: {  	s18 =	sld [smem:$0x3FDB];
	_ =	sdelay $0x1  }
0x99: {  	s19 =	simm.s32 $_scs_section_size  }
0x9a: {  	s4 =	simm.s32 $_size__tile_overlayer_lowered;
	s5 =	simm.s32 $_tile_overlayer_lowered  }
0x9b: {  	s22 =	simm.s32 $0x1BFF;
	s21 =	sshll.u32 s5, $0x1;
	s2 =	sadd.s32 s19, s18  }
0x9c: {  	s6 =	simm.s32 $0x0;
	s20 =	sshll.u32 s4, $0x1;
	s4 =	sadd.s32 s21, s2  }
0x9d: {  	[timem:s6], [sflag:s22] =	dma.local [hbm:s4], s20  }
0x9e: {  	_ =	swait.ge [sflag:s22], s20  }
0x9f: {  	s3 =	ssub.s32 $0x0, s20;
	[sflag:s22] =	ssyncset.done $0x0  }
0xa0: {  	[sflag:s22] =	ssyncadd.s32 s3;
	_ =	sdelay $0x1  }
0xa1: {  	s23 =	simm.s32 $0x1B8B  }
0xa2: {  	_ =	swait.ge [sflag:s23], $0x1  }
0xa3: {  	[sflag:s23] =	ssyncset.done $0x0  }
0xa4: {  	s25 =	simm.s32 $0x1B8E;
	s24 =	sld [smem:$0x3FFE];
	[sflag:s23] =	ssyncadd.s32 $0xFFFFFFFF  }
0xa5: {  	s26 =	simm.s32 $execute0_lowered;
	[smem:$0x3FD2] =	sst s25  }
0xa6: {  	s4 =	sshll.u32 s26, $0x1;
	_ =	strace $0x8000004C;
	[dreg:$0x1] =	wrdreg $0xFFFFFFFF  }
0xa7: {  	s28 =	simm.s32 $_size_execute0_lowered;
	s2 =	sadd.s32 s2, s4;
	[dreg:$0x0] =	wrdreg $0x0  }
0xa8: {  	s4 =	sshll.u32 s28, $0x1;
	[dreg:$0x2] =	wrdreg s2  }
0xa9: {  	[dreg:$0x3] =	wrdreg s4  }
0xaa: {  	[dreg:$0x4] =	wrdreg $0xC0  }
0xab: {  	_ =	task [dreg:s6], $0x5FFFF  }
0xac: {  	[dreg:$0x1] =	wrdreg $0xFFFFFFFF  }
0xad: {  	[dreg:$0x0] =	wrdreg $0x60  }
0xae: {  	[dreg:$0x2] =	wrdreg s24  }
0xaf: {  	[dreg:$0x3] =	wrdreg $0x29000  }
0xb0: {  	[dreg:$0x4] =	wrdreg $0x77200  }
0xb1: {  	[dreg:$0x5] =	wrdreg $0x9  }
0xb2: {  	_ =	task.clear_ibuf [dreg:s6], $0x6FFFF;
	_ =	strace $0x9000004C  }
0xb3: {  	s29 =	simm.s32 $0x9;
	_ =	strace $0x8000004E  }
0xb4: {  	_ =	swait.ge [sflag:s29], $0x1  }
0xb5: {  	[sflag:s29] =	ssyncadd.s32 $0xFFFFFFFF  }
0xb6: {  	_ =	strace $0x9000004E  }
0xb7: {  	_ =	sfence  }
0xb8: {  	s30 =	sld [smem:$0x0];
	_ =	sdelay $0x2  }
0xb9: {  	s31 =	sshll.u32 s1, $0xD;
	s1 =	sshrl.u32 s1, $0x2  }
0xba: {  	s3 =	sand.u32 $0x4000, s31;
	s1 =	sadd.s32 s1, s30  }
0xbb: {  	s0 =	sor.u32 s3, s0;
	s1 =	sshll.u32 s1, $0x11  }
0xbc: {  	s0 =	sor.u32 s1, s0  }
0xbd: {  	s0 =	sadd.s32 $0x8F2B, s0  }
0xbe: {  	[sflag:s0] =	ssyncadd.remote.s32 $0x1  }
0xbf: {  	_ =	sfence.sel $0xFFFF  }
0xc0: {  	[dreg:$0x0] =	wrdreg $0xFFFFFFFF;
	(pc) =	sbr.abs _section_cstart, $3  }
0xc1: {  	[dreg:$0x1] =	wrdreg $0xFFFFFFFF  }
0xc2: {  	_ =	task.clear_ibuf [dreg:s6], $0x2FFFF;
	_ =	strace $0x9FFFFFFF  }
0xc3: {  	(tm) =	ssettm $0x7FFFFFFF  }
tec
execute0_lowered:
.L_overlay_start_1:
0x0: {  	(tag) =	ssettag $0x1  }
0x1: {  	s5 =	rddreg [dreg:$0x0]  }
0x2: {  	s2 =	rddreg [dreg:$0x1]  }
0x3: {  	s3 =	rddreg [dreg:$0x2];
	s0 =	stileid.u32  }
0x4: {  	s4 =	srdreg.scid;
	s1 =	rddreg [dreg:$0x3]  }
0x5: {  	s15 =	simm.s32 $0x80;
	s16 =	simm.s32 $0x50;
	s17 =	simm.s32 $0x100  }
0x6: {  	s18 =	simm.s32 $0x1;
	s19 =	simm.s32 $0x0;
	s6 =	smul.u32 $0x278, s0  }
0x7: {  	s7 =	sand.u32 $0x1, s4;
	s8 =	smul.u32 $0x4E20, s0;
	s4 =	simm.s32 $0x0  }
0x8: {  	s31 =	sshll.u32 s0, $0x6;
	s9 =	smul.u32 $0x2710, s7;
	[smem:$0x7FF] =	sst s4  }
0x9: {  	s11 =	smul.u32 $0x138800, s7;
	s7 =	ssub.s32 $0x2, s7;
	s6 =	smin.u32 s6, $0x2498  }
0xa: {  	_ =	strace $0x8000004D;
	s29 =	sshrl.u32 s7, $0x1;
	s10 =	sshll.u32 s6, $0x4  }
0xb: {  	s12 =	sshll.u32 s6, $0x7;
	s26 =	sadd.s32 s9, s8;
	s9 =	ssub.s32 s7, s29  }
0xc: {  	s10 =	sadd.s32 s10, s5;
	s28 =	sadd.s32 s11, s12;
	s6 =	sshrl.u32 s26, $0x3  }
0xd: {  	s13 =	sadd.s32 s12, s2;
	s14 =	sadd.s32 s12, s3;
	s9 =	smax.u32 s9, $0x1  }
0xe: {  	s8 =	sshrl.u32 s28, $0x3;
	s30 =	sadd.s32 s6, s5;
	s6 =	sor.u32 $0x1C02, s31  }
0xf: {  	s7 =	sadd.s32 $0x16C00, s10;
	s12 =	sshrl.u32 s13, $0x3;
	s13 =	simm.s32 $0x2  }
0x10: {  	s14 =	sshrl.u32 s14, $0x3;
	s8 =	sadd.s32 s8, s5;
	s5 =	sadd.s32 $0x8C000, s10  }
0x11: {  	s10 =	sadd.s32 $0xCE00, s30;
	s11 =	sadd.s32 $0x3000, s30;
	s8 =	sadd.s32 $0xB3200, s8  }
.LBB2_1:
0x12: {  	[spmem:s12], [sflag:s6] =	dma.local [hbm:s5], $0x2780  }
0x13: {  	_ =	swait.ge [sflag:s13], $0x2780  }
0x14: {  	[sflag:s13] =	ssyncset.done $0x0  }
0x15: {  	[sflag:s13] =	ssyncadd.s32 $0xFFFFD880  }
0x16: {  	[spmem:s14], [sflag:s6] =	dma.local [hbm:s7], $0x2780  }
0x17: {  	_ =	swait.ge [sflag:s13], $0x2780  }
0x18: {  	[sflag:s13] =	ssyncset.done $0x0  }
0x19: {  	[sflag:s13] =	ssyncadd.s32 $0xFFFFD880  }
0x1a: {  	s20 =	sadd.s32 $0x0, s11;
	[bflag:$0x0] =	sbarrier.arrive $0xFFFF  }
0x1b: {  	[tilespmem:s4], [sflag:$0x2] =	stream.linear.gather [hbm4b:s20+s4], $0x50, $0x38;
	[tilespmem:$0xC540] =	vst v63  }
0x1c: {  	_ =	swait.ge [sflag:s13], $0x50  }
0x1d: {  	[sflag:s13] =	ssyncset.done $0x0  }
0x1e: {  	s31 =	sadd.s32 $0x0, s10;
	[sflag:s13] =	ssyncadd.s32 $0xFFFFFFB0  }
0x1f: {  	[tilespmem:s15], [sflag:$0x2] =	stream.linear.gather [hbm4b:s31+s4], $0x50, $0x38;
	[tilespmem:$0xC540] =	vst v63  }
0x20: {  	_ =	swait.ge [sflag:s13], $0x50  }
0x21: {  	[sflag:s13] =	ssyncset.done $0x0  }
0x22: {  	[sflag:s13] =	ssyncadd.s32 $0xFFFFFFB0  }
0x23: {  	[tilespmem:s17], [sflag:$0x1] =	stream.indirect.gather [spmem:s3], $0x20, s4, s16, $0xb8;
	[tilespmem:$0xC540] =	vst v63  }
0x24: {  	_ =	swait.ge [sflag:s18], $0xA00  }
0x25: {  	[sflag:s18] =	ssyncset.done $0x0  }
0x26: {  	[sflag:s18] =	ssyncadd.s32 $0xFFFFF600  }
0x27: {  	[spmem:s2] =	stream.indirect.scatter.add.f32 [tilespmem:s17], [sflag:$0x2], $0x20, s15, s16, $0xb8;
	[tilespmem:$0xC540] =	vst v63  }
0x28: {  	_ =	swait.ge [sflag:s13], $0xA00  }
0x29: {  	s21 =	simm.s32 $0x14;
	s20 =	simm.s32 $0xA;
	[sflag:s13] =	ssyncset.done $0x0  }
.LBB2_2:
0x2a: {  	s22 =	sadd.s32 s20, s11  }
0x2b: {  	[sflag:s13] =	ssyncadd.s32 $0xFFFFF600;
	s23 =	smov.u32 s21;
	s24 =	sadd.s32 $0xA, s21  }
0x2c: {  	[tilespmem:s4], [sflag:$0x2] =	stream.linear.gather [hbm4b:s22+s4], $0x50, $0x38;
	[tilespmem:$0xC540] =	vst v63  }
0x2d: {  	p0 =	sne.s32 s21, $0x4D8;
	_ =	swait.ge [sflag:s13], $0x50  }
0x2e: {  	[sflag:s13] =	ssyncset.done $0x0  }
0x2f: {  	s21 =	sadd.s32 s20, s10;
	s20 =	smov.u32 s23;
	[sflag:s13] =	ssyncadd.s32 $0xFFFFFFB0  }
0x30: {  	[tilespmem:s15], [sflag:$0x2] =	stream.linear.gather [hbm4b:s21+s4], $0x50, $0x38;
	[tilespmem:$0xC540] =	vst v63  }
0x31: {  	_ =	swait.ge [sflag:s13], $0x50  }
0x32: {  	[sflag:s13] =	ssyncset.done $0x0  }
0x33: {  	[sflag:s13] =	ssyncadd.s32 $0xFFFFFFB0  }
0x34: {  	[tilespmem:s17], [sflag:$0x1] =	stream.indirect.gather [spmem:s3], $0x20, s4, s16, $0xb8;
	[tilespmem:$0xC540] =	vst v63  }
0x35: {  	_ =	swait.ge [sflag:s18], $0xA00  }
.Ltmp0:
0x36: {  	[sflag:s18] =	ssyncset.done $0x0;
	(pc) =	sbr.rel @p0 .LBB2_2-.Ltmp0, $4  }
0x37: {  	[sflag:s18] =	ssyncadd.s32 $0xFFFFF600  }
0x38: {  	[spmem:s2] =	stream.indirect.scatter.add.f32 [tilespmem:s17], [sflag:$0x2], $0x20, s15, s16, $0xb8;
	[tilespmem:$0xC540] =	vst v63  }
0x39: {  	_ =	swait.ge [sflag:s13], $0xA00  }
0x3a: {  	s21 =	smov.u32 s24;
	[sflag:s13] =	ssyncset.done $0x0  }
0x3b: {  	s21 =	sadd.s32 s20, s11;
	[sflag:s13] =	ssyncadd.s32 $0xFFFFF600  }
0x3c: {  	[tilespmem:s4], [sflag:$0x2] =	stream.linear.gather [hbm4b:s21+s4], $0x50, $0x38;
	[tilespmem:$0xC540] =	vst v63  }
0x3d: {  	_ =	swait.ge [sflag:s13], $0x50  }
0x3e: {  	[sflag:s13] =	ssyncset.done $0x0  }
0x3f: {  	s31 =	sadd.s32 s20, s10;
	[sflag:s13] =	ssyncadd.s32 $0xFFFFFFB0  }
0x40: {  	[tilespmem:s15], [sflag:$0x2] =	stream.linear.gather [hbm4b:s31+s4], $0x50, $0x38;
	[tilespmem:$0xC540] =	vst v63  }
0x41: {  	_ =	swait.ge [sflag:s13], $0x50  }
0x42: {  	[sflag:s13] =	ssyncset.done $0x0  }
0x43: {  	[sflag:s13] =	ssyncadd.s32 $0xFFFFFFB0  }
0x44: {  	[tilespmem:s17], [sflag:$0x1] =	stream.indirect.gather [spmem:s3], $0x20, s4, s16, $0xb8;
	[tilespmem:$0xC540] =	vst v63  }
0x45: {  	_ =	swait.ge [sflag:s18], $0xA00  }
0x46: {  	[sflag:s18] =	ssyncset.done $0x0  }
0x47: {  	[sflag:s18] =	ssyncadd.s32 $0xFFFFF600  }
0x48: {  	[spmem:s2] =	stream.indirect.scatter.add.f32 [tilespmem:s17], [sflag:$0x2], $0x20, s15, s16, $0xb8;
	[tilespmem:$0xC540] =	vst v63  }
0x49: {  	_ =	swait.ge [sflag:s13], $0xA00  }
0x4a: {  	s19 =	sadd.s32 $0x1, s19;
	[sflag:s13] =	ssyncset.done $0x0  }
0x4b: {  	p0 =	sne.s32 s19, s9;
	[sflag:s13] =	ssyncadd.s32 $0xFFFFF600  }
.Ltmp1:
0x4c: {  	[bflag:$0x0] =	sbarrier.arrive $0xFFFF;
	(pc) =	sbr.rel @p0 .LBB2_1-.Ltmp1, $4  }
0x4d: {  	[hbm:s8], [sflag:s6] =	dma.local [spmem:s12], $0x2780  }
0x4e: {  	_ =	swait.ge [sflag:s13], $0x2780  }
0x4f: {  	[sflag:s13] =	ssyncset.done $0x0  }
0x50: {  	[sflag:s13] =	ssyncadd.s32 $0xFFFFD880  }
0x51: {  	_ =	sfence.sel $0x180000  }
0x52: {  	[bflag:$0x0] =	sbarrier.arrive $0xFFFF  }
0x53: {  	p0 =	sne.s32 s0, $0x0;
	_ =	strace $0x9000004D  }
0x54: {  	s0 =	sadd.s32 @!p0 $0x100000, s1;
	[bflag:$0x2] =	sbarrier.arrive $0xFFFF  }
0x55: {  	[sflag:s0] =	ssyncadd.tile.s32 @!p0 $0x1;
	_ =	shalt  }
.Lfunc_end2:
_tile_overlayer_lowered:
.L_overlay_start_2:
0x56: {  	(tag) =	ssettag $0x2  }
0x57: {  	s0 =	rddreg [dreg:$0x0];
	s2 =	stileid.u32  }
0x58: {  	s1 =	rddreg [dreg:$0x1];
	p0 =	sne.s32 s2, $0x0  }
0x59: {  	s3 =	rddreg [dreg:$0x2];
	[bflag:$0x3] =	sbarrier.arrive $0xFFFF;
	s2 =	simm.s32 @!p0 $0x1C02  }
0x5a: {  	[timem:s3], [sflag:s2] =	dma.local @!p0 [hbm:s0], s1  }
0x5b: {  	s0 =	simm.s32 @!p0 $0x2  }
0x5c: {  	_ =	swait.ge @!p0 [sflag:s0], s1  }
0x5d: {  	s1 =	ssub.s32 @!p0 $0x0, s1;
	[sflag:s0] =	ssyncset.done @!p0 $0x0  }
0x5e: {  	[sflag:s0] =	ssyncadd.s32 @!p0 s1  }
0x5f: {  	[bflag:$0x3] =	sbarrier.arrive $0xFFFF  }
0x60: {  	_ =	shalt  }

// kernel: kernel.8.cloned.1.call-start
scs
__scs_entry_jumppad:
0x0: {  	(pc) =	sbr.rel $0x88, $3  }
0x1: {  	(tag) =	ssettag $0x0;
	lr =	simm.s32 $0x1  }
0x2: {  	[smem:$0x3F94] =	sst lr;
	_ =	strace $0xD0000000  }
0x3: {  	_ = 	snop  }
0x4: {  	_ = 	snop  }
0x5: {  	_ = 	snop  }
0x6: {  	_ = 	snop  }
0x7: {  	_ = 	snop  }
__scs_overlays_trampoline_lowered:
0x8: {  	[smem:$0x3FA3] =	sst s0  }
0x9: {  	[smem:$0x3FA4] =	sst s1  }
0xa: {  	[smem:$0x3FA5] =	sst s2  }
0xb: {  	[smem:$0x3FA6] =	sst s3  }
0xc: {  	[smem:$0x3FA7] =	sst s4  }
0xd: {  	[smem:$0x3FA8] =	sst s5  }
0xe: {  	[smem:$0x3FA9] =	sst s6  }
0xf: {  	[smem:$0x3FAA] =	sst s7  }
0x10: {  	[smem:$0x3FAB] =	sst s8  }
0x11: {  	[smem:$0x3FAC] =	sst s9;
	s0 =	simm.s32 @!p0 $0x0  }
0x12: {  	s1 =	sld [smem:$0x3F92];
	s0 =	simm.s32 @p0 $0x1  }
0x13: {  	[smem:$0x3FAD] =	sst s0;
	s0 =	simm.s32 @!p1 $0x0  }
0x14: {  	s2 =	sld [smem:$0x3F91];
	s0 =	simm.s32 @p1 $0x1  }
0x15: {  	[smem:$0x3FAE] =	sst s0;
	s0 =	simm.s32 @!p2 $0x0  }
0x16: {  	s3 =	sld [smem:$0x3FDB];
	s0 =	simm.s32 @p2 $0x1  }
0x17: {  	s4 =	simm.s32 $0x1BF5;
	[smem:$0x3FB0] =	sst s0  }
0x18: {  	s0 =	sld [smem:$0x3F93];
	_ =	swait.ge [sflag:s4], $0x0  }
0x19: {  	s7 =	sld [smem:$0x3F94]  }
0x1a: {  	s8 =	sadd.s32 $0xFFFFE003, lr  }
0x1b: {  	s9 =	sadd.s32 $0xFFFFFEF7, lr;
	s5 =	simm.s32 $0xFFFFFFFF;
	p2 =	slt.u32 s8, $0xFFFFF086  }
0x1c: {  	p1 =	slt.u32 s9, $0xF7A;
	s5 =	simm.s32 @!p2 $0x0  }
0x1d: {  	s5 =	simm.s32 @p1 $0x1;
	p0 =	seq.s32 s7, s2  }
0x1e: {  	s7 =	smul.u32 @!p0 $0xF7A, s2;
	p2 =	seq.s32 @!p0 s5, $0x0  }
0x1f: {  	s9 =	smul.u32 $0xF7A, s1;
	s8 =	simm.s32 @!p0 $0x1BF5;
	p2 =	por !p2, p0  }
0x20: {  	[sflag:s8] =	ssyncset.s32 @!p0 $0xFFFFF086;
	s6 =	sadd.s32 @!p0 s3, s7;
	s7 =	simm.s32 @!p0 $0x108  }
0x21: {  	s3 =	sadd.s32 s3, s9;
	s6 =	sadd.s32 @!p0 $0x88, s6;
	s7 =	simm.s32 @p2 $0x1082  }
0x22: {  	[simem:s7], [sflag:s8] =	dma.local @!p0 [hbm:s6], $0xF7A  }
0x23: {  	s9 =	sor.u32 $0xD0000000, s2;
	s6 =	simm.s32 $0x108;
	_ =	swait.ge @!p0 [sflag:s8], $0x0  }
0x24: {  	s3 =	sadd.s32 $0x88, s3;
	s6 =	simm.s32 @!p1 $0x1082;
	[sflag:s4] =	ssyncset.s32 $0xFFFFF086  }
0x25: {  	[simem:s6], [sflag:s4] =	dma.local [hbm:s3], $0xF7A  }
0x26: {  	[smem:$0x3F94] =	sst s1;
	(tag) =	ssettag s2;
	_ =	strace s9  }
0x27: {  	s1 =	sld [smem:$0x3FA4]  }
0x28: {  	s2 =	sld [smem:$0x3FA5]  }
0x29: {  	s4 =	sld [smem:$0x3FA7]  }
0x2a: {  	p0 =	seq.s32 s5, $0x0;
	s5 =	sld [smem:$0x3FA8]  }
0x2b: {  	s6 =	sld [smem:$0x3FA9]  }
0x2c: {  	s7 =	sld [smem:$0x3FAA]  }
0x2d: {  	s3 =	simm.s32 $0x108;
	s8 =	sld [smem:$0x3FAB]  }
0x2e: {  	s3 =	simm.s32 @!p0 $0x1082;
	s9 =	sld [smem:$0x3FAC]  }
0x2f: {  	lr =	sadd.s32 s0, s3;
	s0 =	sld [smem:$0x3FA3]  }
0x30: {  	s3 =	sld [smem:$0x3FA6]  }
0x31: {  	[smem:$0x3FAF] =	sst s10  }
0x32: {  	s10 =	sld [smem:$0x3FAD];
	_ =	sdelay $0x3  }
0x33: {  	p0 =	seq.s32 s10, $0x1;
	s10 =	sld [smem:$0x3FAF];
	_ =	sdelay $0x3  }
0x34: {  	[smem:$0x3FAF] =	sst s10  }
0x35: {  	s10 =	sld [smem:$0x3FAE];
	_ =	sdelay $0x3  }
0x36: {  	p1 =	seq.s32 s10, $0x1;
	s10 =	sld [smem:$0x3FAF];
	_ =	sdelay $0x3  }
0x37: {  	[smem:$0x3FAF] =	sst s10  }
0x38: {  	s10 =	sld [smem:$0x3FB0]  }
0x39: {  	_ = 	snop;
	(pc) =	sbr.ind lr, $3  }
0x3a: {  	_ = 	snop  }
0x3b: {  	_ = 	snop  }
0x3c: {  	p2 =	seq.s32 s10, $0x1;
	s10 =	sld [smem:$0x3FAF]  }
0x3d: {  	_ =	shalt  }
0x3e: {  	_ =	shalt  }
0x3f: {  	_ =	shalt  }
0x40: {  	_ =	shalt  }
0x41: {  	_ =	shalt  }
0x42: {  	_ =	shalt  }
0x43: {  	_ =	shalt  }
0x44: {  	_ =	shalt  }
0x45: {  	_ =	shalt  }
0x46: {  	_ =	shalt  }
0x47: {  	_ =	shalt  }
0x48: {  	_ =	shalt  }
0x49: {  	_ =	shalt  }
0x4a: {  	_ =	shalt  }
0x4b: {  	_ =	shalt  }
0x4c: {  	_ =	shalt  }
0x4d: {  	_ =	shalt  }
0x4e: {  	_ =	shalt  }
0x4f: {  	_ =	shalt  }
0x50: {  	_ =	shalt  }
0x51: {  	_ =	shalt  }
0x52: {  	_ =	shalt  }
0x53: {  	_ =	shalt  }
0x54: {  	_ =	shalt  }
0x55: {  	_ =	shalt  }
0x56: {  	_ =	shalt  }
0x57: {  	_ =	shalt  }
0x58: {  	_ =	shalt  }
0x59: {  	_ =	shalt  }
0x5a: {  	_ =	shalt  }
0x5b: {  	_ =	shalt  }
0x5c: {  	_ =	shalt  }
0x5d: {  	_ =	shalt  }
0x5e: {  	_ =	shalt  }
0x5f: {  	_ =	shalt  }
0x60: {  	_ =	shalt  }
0x61: {  	_ =	shalt  }
0x62: {  	_ =	shalt  }
0x63: {  	_ =	shalt  }
0x64: {  	_ =	shalt  }
0x65: {  	_ =	shalt  }
0x66: {  	_ =	shalt  }
0x67: {  	_ =	shalt  }
0x68: {  	_ =	shalt  }
0x69: {  	_ =	shalt  }
0x6a: {  	_ =	shalt  }
0x6b: {  	_ =	shalt  }
0x6c: {  	_ =	shalt  }
0x6d: {  	_ =	shalt  }
0x6e: {  	_ =	shalt  }
0x6f: {  	_ =	shalt  }
0x70: {  	_ =	shalt  }
0x71: {  	_ =	shalt  }
0x72: {  	_ =	shalt  }
0x73: {  	_ =	shalt  }
0x74: {  	_ =	shalt  }
0x75: {  	_ =	shalt  }
0x76: {  	_ =	shalt  }
0x77: {  	_ =	shalt  }
0x78: {  	_ =	shalt  }
0x79: {  	_ =	shalt  }
0x7a: {  	_ =	shalt  }
0x7b: {  	_ =	shalt  }
0x7c: {  	_ =	shalt  }
0x7d: {  	_ =	shalt  }
0x7e: {  	_ =	shalt  }
0x7f: {  	_ =	shalt  }
0x80: {  	_ =	shalt  }
0x81: {  	_ =	shalt  }
0x82: {  	_ =	shalt  }
0x83: {  	_ =	shalt  }
0x84: {  	_ =	shalt  }
0x85: {  	_ =	shalt  }
0x86: {  	_ =	shalt  }
0x87: {  	_ =	shalt  }
.Lfunc_end0:
.L_simem_size_0:
called_computation_lowered:
.L_overlay_start_0:
0x88: {  	s2 =	sld [smem:$0x3FD9]  }
0x89: {  	s3 =	sld [smem:$0x3FFE];
	_ =	sdelay $0x1  }
0x8a: {  	s1 =	srdreg.scid  }
0x8b: {  	s0 =	sand.u32 $0x1, s1  }
0x8c: {  	s16 =	sshll.u32 s0, $0xA;
	s2 =	sadd.s32 s3, s2  }
0x8d: {  	s2 =	sadd.s32 s2, s16  }
0x8e: {  	[smem:$0x3FBB] =	sst s2  }
0x8f: {  	_ = 	snop  }
0x90: {  	(tm) =	ssettm $0x1  }
0x91: {  	s17 =	sld [smem:$0x3FFB];
	_ =	sdelay $0x3  }
0x92: {  	_ =	strace s17  }
0x93: {  	s2 =	sld [smem:$0x3FFC];
	_ =	sdelay $0x3  }
0x94: {  	_ =	strace s2  }
0x95: {  	s2 =	sld [smem:$0x3FFD];
	_ =	sdelay $0x3  }
0x96: {  	_ =	strace s2  }
0x97: {  	_ =	strace $0x8FFFFFFF  }
0x98: {  	s18 =	sld [smem:$0x3FDB];
	_ =	sdelay $0x1  }
0x99: {  	s19 =	simm.s32 $_scs_section_size  }
0x9a: {  	s4 =	simm.s32 $_size__tile_overlayer_lowered;
	s5 =	simm.s32 $_tile_overlayer_lowered  }
0x9b: {  	s22 =	simm.s32 $0x1BFF;
	s21 =	sshll.u32 s5, $0x1;
	s2 =	sadd.s32 s19, s18  }
0x9c: {  	s6 =	simm.s32 $0x0;
	s20 =	sshll.u32 s4, $0x1;
	s4 =	sadd.s32 s21, s2  }
0x9d: {  	[timem:s6], [sflag:s22] =	dma.local [hbm:s4], s20  }
0x9e: {  	_ =	swait.ge [sflag:s22], s20  }
0x9f: {  	s3 =	ssub.s32 $0x0, s20;
	[sflag:s22] =	ssyncset.done $0x0  }
0xa0: {  	[sflag:s22] =	ssyncadd.s32 s3;
	_ =	sdelay $0x1  }
0xa1: {  	s23 =	simm.s32 $0x1B8B  }
0xa2: {  	_ =	swait.ge [sflag:s23], $0x1  }
0xa3: {  	[sflag:s23] =	ssyncset.done $0x0  }
0xa4: {  	s25 =	simm.s32 $0x1B8E;
	s24 =	sld [smem:$0x3FFE];
	[sflag:s23] =	ssyncadd.s32 $0xFFFFFFFF  }
0xa5: {  	s26 =	simm.s32 $execute0_lowered;
	[smem:$0x3FD2] =	sst s25  }
0xa6: {  	s4 =	sshll.u32 s26, $0x1;
	_ =	strace $0x80000046;
	[dreg:$0x1] =	wrdreg $0xFFFFFFFF  }
0xa7: {  	s28 =	simm.s32 $_size_execute0_lowered;
	s2 =	sadd.s32 s2, s4;
	[dreg:$0x0] =	wrdreg $0x0  }
0xa8: {  	s4 =	sshll.u32 s28, $0x1;
	[dreg:$0x2] =	wrdreg s2  }
0xa9: {  	[dreg:$0x3] =	wrdreg s4  }
0xaa: {  	[dreg:$0x4] =	wrdreg $0xC0  }
0xab: {  	_ =	task [dreg:s6], $0x5FFFF  }
0xac: {  	[dreg:$0x1] =	wrdreg $0xFFFFFFFF  }
0xad: {  	[dreg:$0x0] =	wrdreg $0x60  }
0xae: {  	[dreg:$0x2] =	wrdreg s24  }
0xaf: {  	[dreg:$0x3] =	wrdreg $0x28800  }
0xb0: {  	[dreg:$0x4] =	wrdreg $0x9  }
0xb1: {  	_ =	task.clear_ibuf [dreg:s6], $0x5FFFF;
	_ =	strace $0x90000046  }
0xb2: {  	s29 =	simm.s32 $0x9;
	_ =	strace $0x80000048  }
0xb3: {  	_ =	swait.ge [sflag:s29], $0x1  }
0xb4: {  	[sflag:s29] =	ssyncadd.s32 $0xFFFFFFFF  }
0xb5: {  	_ =	strace $0x90000048  }
0xb6: {  	_ =	sfence  }
0xb7: {  	s30 =	sld [smem:$0x0];
	_ =	sdelay $0x2  }
0xb8: {  	s31 =	sshll.u32 s1, $0xD;
	s1 =	sshrl.u32 s1, $0x2  }
0xb9: {  	s3 =	sand.u32 $0x4000, s31;
	s1 =	sadd.s32 s1, s30  }
0xba: {  	s0 =	sor.u32 s3, s0;
	s1 =	sshll.u32 s1, $0x11  }
0xbb: {  	s0 =	sor.u32 s1, s0  }
0xbc: {  	s0 =	sadd.s32 $0x8F2B, s0  }
0xbd: {  	[sflag:s0] =	ssyncadd.remote.s32 $0x1  }
0xbe: {  	_ =	sfence.sel $0xFFFF  }
0xbf: {  	[dreg:$0x0] =	wrdreg $0xFFFFFFFF;
	(pc) =	sbr.abs _section_cstart, $3  }
0xc0: {  	[dreg:$0x1] =	wrdreg $0xFFFFFFFF  }
0xc1: {  	_ =	task.clear_ibuf [dreg:s6], $0x2FFFF;
	_ =	strace $0x9FFFFFFF  }
0xc2: {  	(tm) =	ssettm $0x7FFFFFFF  }
0xc3: {  	_ =	shalt  }
tec
execute0_lowered:
.L_overlay_start_1:
0x0: {  	(tag) =	ssettag $0x1  }
0x1: {  	s1 =	srdreg.scid;
	s4 =	rddreg [dreg:$0x0]  }
0x2: {  	s0 =	stileid.u32;
	s2 =	rddreg [dreg:$0x1];
	s3 =	simm.s32 $0x0  }
0x3: {  	s11 =	simm.s32 $0x50;
	s12 =	simm.s32 $0x80;
	s6 =	smul.u32 $0x4E20, s0  }
0x4: {  	s5 =	sand.u32 $0x1, s1;
	s1 =	rddreg [dreg:$0x2];
	s8 =	smul.u32 $0x278, s0  }
0x5: {  	s13 =	simm.s32 $0x0;
	[smem:$0x7FF] =	sst s3;
	s7 =	smul.u32 $0x2710, s5  }
0x6: {  	s31 =	sshll.u32 s0, $0x6;
	s28 =	smul.u32 $0x138800, s5;
	s5 =	ssub.s32 $0x2, s5  }
0x7: {  	_ =	strace $0x80000047;
	s26 =	smin.u32 s8, $0x2498;
	s30 =	sshrl.u32 s5, $0x1  }
0x8: {  	s6 =	sadd.s32 s7, s6;
	s9 =	sshll.u32 s26, $0x7;
	s7 =	sshll.u32 s26, $0x4  }
0x9: {  	s8 =	ssub.s32 s5, s30;
	s5 =	sor.u32 $0x1C01, s31;
	s6 =	sshrl.u32 s6, $0x3  }
0xa: {  	s29 =	sadd.s32 s28, s9;
	s7 =	sadd.s32 s7, s4;
	s9 =	sadd.s32 s9, s2  }
0xb: {  	s10 =	sadd.s32 s6, s4;
	s6 =	sshrl.u32 s29, $0x3;
	s9 =	sshrl.u32 s9, $0x3  }
0xc: {  	s6 =	sadd.s32 s6, s4;
	s4 =	sadd.s32 $0x16C00, s7;
	s7 =	smax.u32 s8, $0x1  }
0xd: {  	v0 =	vimm.f32 $1.000000000e+00;
	s8 =	sadd.s32 $0xCE00, s10;
	s10 =	simm.s32 $0x1;
	s6 =	sadd.s32 $0x3DE00, s6  }
.LBB2_1:
0xe: {  	s14 =	simm.s32 $0x400;
	s15 =	simm.s32 $0x0  }
.LBB2_2:
0xf: {  	p0 =	sne.s32 s14, $0x9C00;
	[tilespmem:s15+$0x80] =	vst.msk $0xff, v0;
	s16 =	smov.u32 s14;
	s14 =	sadd.s32 $0x400, s14  }
.Ltmp0:
0x10: {  	[tilespmem:s15+$0x100] =	vst.msk $0xff, v0;
	(pc) =	sbr.rel @p0 .LBB2_2-.Ltmp0, $2  }
0x11: {  	_ =	sdelay $0x2  }
0x12: {  	s15 =	sshra.s32 s16, $0x2  }
0x13: {  	[tilespmem:s15+$0x80] =	vst.msk $0xff, v0  }
0x14: {  	[tilespmem:s15+$0x100] =	vst.msk $0xff, v0  }
0x15: {  	[spmem:s9], [sflag:s5] =	dma.local [hbm:s4], $0x2780  }
0x16: {  	_ =	swait.ge [sflag:s10], $0x2780  }
0x17: {  	[sflag:s10] =	ssyncset.done $0x0  }
0x18: {  	[sflag:s10] =	ssyncadd.s32 $0xFFFFD880  }
0x19: {  	s14 =	sadd.s32 $0x0, s8;
	[bflag:$0x0] =	sbarrier.arrive $0xFFFF  }
0x1a: {  	[tilespmem:s3], [sflag:$0x1] =	stream.linear.gather [hbm4b:s14+s3], $0x50, $0x38;
	[tilespmem:$0x3C08] =	vst v63  }
0x1b: {  	_ =	swait.ge [sflag:s10], $0x50  }
0x1c: {  	[sflag:s10] =	ssyncset.done $0x0  }
0x1d: {  	[sflag:s10] =	ssyncadd.s32 $0xFFFFFFB0  }
0x1e: {  	[spmem:s2] =	stream.indirect.scatter.add.f32 [tilespmem:s12], [sflag:$0x1], $0x8, s3, s11, $0xb8;
	[tilespmem:$0x3C08] =	vst v63  }
0x1f: {  	_ =	swait.ge [sflag:s10], $0x280  }
0x20: {  	s15 =	simm.s32 $0x14;
	s14 =	simm.s32 $0xA;
	[sflag:s10] =	ssyncset.done $0x0  }
.LBB2_4:
0x21: {  	s16 =	sadd.s32 s14, s8  }
0x22: {  	[sflag:s10] =	ssyncadd.s32 $0xFFFFFD80;
	s14 =	smov.u32 s15;
	s17 =	sadd.s32 $0xA, s15  }
0x23: {  	[tilespmem:s3], [sflag:$0x1] =	stream.linear.gather [hbm4b:s16+s3], $0x50, $0x38;
	[tilespmem:$0x3C08] =	vst v63  }
0x24: {  	p0 =	sne.s32 s15, $0x4D8;
	_ =	swait.ge [sflag:s10], $0x50  }
.Ltmp1:
0x25: {  	[sflag:s10] =	ssyncset.done $0x0;
	(pc) =	sbr.rel @p0 .LBB2_4-.Ltmp1, $4  }
0x26: {  	[sflag:s10] =	ssyncadd.s32 $0xFFFFFFB0  }
0x27: {  	[spmem:s2] =	stream.indirect.scatter.add.f32 [tilespmem:s12], [sflag:$0x1], $0x8, s3, s11, $0xb8;
	[tilespmem:$0x3C08] =	vst v63  }
0x28: {  	_ =	swait.ge [sflag:s10], $0x280  }
0x29: {  	s15 =	smov.u32 s17;
	[sflag:s10] =	ssyncset.done $0x0  }
0x2a: {  	s14 =	sadd.s32 s14, s8;
	[sflag:s10] =	ssyncadd.s32 $0xFFFFFD80  }
0x2b: {  	[tilespmem:s3], [sflag:$0x1] =	stream.linear.gather [hbm4b:s14+s3], $0x50, $0x38;
	[tilespmem:$0x3C08] =	vst v63  }
0x2c: {  	_ =	swait.ge [sflag:s10], $0x50  }
0x2d: {  	[sflag:s10] =	ssyncset.done $0x0  }
0x2e: {  	[sflag:s10] =	ssyncadd.s32 $0xFFFFFFB0  }
0x2f: {  	[spmem:s2] =	stream.indirect.scatter.add.f32 [tilespmem:s12], [sflag:$0x1], $0x8, s3, s11, $0xb8;
	[tilespmem:$0x3C08] =	vst v63  }
0x30: {  	_ =	swait.ge [sflag:s10], $0x280  }
0x31: {  	s13 =	sadd.s32 $0x1, s13;
	[sflag:s10] =	ssyncset.done $0x0  }
0x32: {  	p0 =	sne.s32 s13, s7;
	[sflag:s10] =	ssyncadd.s32 $0xFFFFFD80  }
.Ltmp2:
0x33: {  	[bflag:$0x0] =	sbarrier.arrive $0xFFFF;
	(pc) =	sbr.rel @p0 .LBB2_1-.Ltmp2, $4  }
0x34: {  	[hbm:s6], [sflag:s5] =	dma.local [spmem:s9], $0x2780  }
0x35: {  	_ =	swait.ge [sflag:s10], $0x2780  }
0x36: {  	[sflag:s10] =	ssyncset.done $0x0  }
0x37: {  	[sflag:s10] =	ssyncadd.s32 $0xFFFFD880  }
0x38: {  	_ =	sfence.sel $0x180000  }
0x39: {  	[bflag:$0x0] =	sbarrier.arrive $0xFFFF  }
0x3a: {  	p0 =	sne.s32 s0, $0x0;
	_ =	strace $0x90000047  }
0x3b: {  	s0 =	sadd.s32 @!p0 $0x100000, s1;
	[bflag:$0x2] =	sbarrier.arrive $0xFFFF  }
0x3c: {  	[sflag:s0] =	ssyncadd.tile.s32 @!p0 $0x1;
	_ =	shalt  }
.Lfunc_end2:
_tile_overlayer_lowered:
.L_overlay_start_2:
0x3d: {  	(tag) =	ssettag $0x2  }
0x3e: {  	s0 =	rddreg [dreg:$0x0];
	s2 =	stileid.u32  }
0x3f: {  	s1 =	rddreg [dreg:$0x1];
	p0 =	sne.s32 s2, $0x0  }
0x40: {  	s3 =	rddreg [dreg:$0x2];
	[bflag:$0x3] =	sbarrier.arrive $0xFFFF;
	s2 =	simm.s32 @!p0 $0x1C01  }
0x41: {  	[timem:s3], [sflag:s2] =	dma.local @!p0 [hbm:s0], s1  }
0x42: {  	s0 =	simm.s32 @!p0 $0x1  }
0x43: {  	_ =	swait.ge @!p0 [sflag:s0], s1  }
0x44: {  	s1 =	ssub.s32 @!p0 $0x0, s1;
	[sflag:s0] =	ssyncset.done @!p0 $0x0  }
0x45: {  	[sflag:s0] =	ssyncadd.s32 @!p0 s1  }
0x46: {  	[bflag:$0x3] =	sbarrier.arrive $0xFFFF  }
0x47: {  	_ =	shalt  }

</sc_bundles>
